<compile_context>
chip_gen: v7x
topology: tpu7x:2x2x1
jax: 0.10.2.dev20260603
libtpu: 0.0.44.dev20260713+nightly
codegen_flags: <defaults>
</compile_context>

<pallas_src>
import functools

import jax
import jax.numpy as jnp
from jax import lax
from jax.experimental import pallas as pl
from jax.experimental.pallas import tpu as pltpu
from jax.experimental.pallas import tpu_sc as plsc

N_NODES = 10000
N_EDGES = 320000
D_FEAT = 128
NC = 2
NS = 16
NW = NC * NS
C = 128
CHUNKS = -(-N_EDGES // (NW * C))
EPW = CHUNKS * C
EPAD = NW * EPW
DEGR = 10240
DTPT = DEGR // NS
AGGR = 10112
ATPT = AGGR // NS
OPT = N_NODES // NS
BLK = 2000
GRID = N_NODES // BLK

_mesh = plsc.VectorSubcoreMesh(core_axis_name="c", subcore_axis_name="s")


@functools.partial(
    pl.kernel,
    mesh=_mesh,
    out_type=jax.ShapeDtypeStruct((NC, DEGR), jnp.float32),
    scratch_types=[
        pltpu.VMEM_SHARED((DEGR,), jnp.float32),
        pltpu.VMEM((CHUNKS, C), jnp.int32),
        pltpu.VMEM((C,), jnp.float32),
        pltpu.SemaphoreType.DMA,
        pltpu.SemaphoreType.DMA,
        pltpu.SemaphoreType.DMA,
        pltpu.SemaphoreType.DMA,
        pltpu.SemaphoreType.DMA,
    ],
)
def _hist_kernel(row3, zer1, deg_out, deg_sh,
                 idx_all, ones_v, il, ss0, ss1, ss2, ss3):
    c = lax.axis_index("c")
    s = lax.axis_index("s")
    wid = s * NC + c
    ssem = (ss0, ss1, ss2, ss3)
    pltpu.make_async_copy(row3.at[wid], idx_all, il).start()
    pltpu.sync_copy(zer1, deg_sh.at[pl.ds(s * DTPT, DTPT)])
    for i in range(C // 16):
        ones_v[pl.ds(16 * i, 16)] = jnp.ones((16,), jnp.float32)
    pltpu.make_async_copy(row3.at[wid], idx_all, il).wait()
    plsc.subcore_barrier()

    def sc_at(k, b):
        return pltpu.make_async_copy(ones_v, deg_sh.at[idx_all.at[k]],
                                     ssem[b])

    def step(k, b):
        @pl.when(k < CHUNKS)
        def _():
            @pl.when(k >= 4)
            def _():
                sc_at(k - 4, b).wait()
            sc_at(k, b).start(add=True)

    def quad(t, carry):
        k = 4 * t
        step(k, 0)
        step(k + 1, 1)
        step(k + 2, 2)
        step(k + 3, 3)
        return carry

    lax.fori_loop(0, (CHUNKS + 3) // 4, quad, 0)
    for j in range(CHUNKS - 4, CHUNKS):
        sc_at(j, j % 4).wait()
    plsc.subcore_barrier()
    pltpu.sync_copy(deg_sh.at[pl.ds(s * DTPT, DTPT)],
                    deg_out.at[c, pl.ds(s * DTPT, DTPT)])


@functools.partial(
    pl.kernel,
    mesh=_mesh,
    out_type=jax.ShapeDtypeStruct((NC, AGGR, D_FEAT), jnp.float32),
    scratch_types=[
        pltpu.VMEM_SHARED((AGGR, D_FEAT), jnp.float32),
        pltpu.VMEM((C,), jnp.int32),
        pltpu.VMEM((C,), jnp.int32),
        pltpu.VMEM((C,), jnp.int32),
        pltpu.VMEM((C,), jnp.int32),
        pltpu.VMEM((C,), jnp.int32),
        pltpu.VMEM((C,), jnp.int32),
        pltpu.VMEM((C, D_FEAT), jnp.float32),
        pltpu.VMEM((C, D_FEAT), jnp.float32),
        pltpu.VMEM((C, D_FEAT), jnp.float32),
        pltpu.SemaphoreType.DMA,
        pltpu.SemaphoreType.DMA,
        pltpu.SemaphoreType.DMA,
        pltpu.SemaphoreType.DMA,
        pltpu.SemaphoreType.DMA,
        pltpu.SemaphoreType.DMA,
        pltpu.SemaphoreType.DMA,
        pltpu.SemaphoreType.DMA,
        pltpu.SemaphoreType.DMA,
        pltpu.SemaphoreType.DMA,
        pltpu.SemaphoreType.DMA,
        pltpu.SemaphoreType.DMA,
    ],
)
def _agg_kernel(xs_hbm, row3, col3, zer2, part_out, agg_sh,
                colv0, colv1, colv2, rowv0, rowv1, rowv2,
                rows0, rows1, rows2,
                cs0, cs1, cs2, rs0, rs1, rs2,
                gs0, gs1, gs2, ss0, ss1, ss2):
    c = lax.axis_index("c")
    s = lax.axis_index("s")
    wid = s * NC + c
    colv = (colv0, colv1, colv2)
    rowv = (rowv0, rowv1, rowv2)
    rows = (rows0, rows1, rows2)
    cs = (cs0, cs1, cs2)
    rs = (rs0, rs1, rs2)
    gs = (gs0, gs1, gs2)
    ss = (ss0, ss1, ss2)
    pltpu.sync_copy(zer2, agg_sh.at[pl.ds(s * ATPT, ATPT)])
    plsc.subcore_barrier()

    def col_cp(k, b):
        return pltpu.make_async_copy(col3.at[wid, k], colv[b], cs[b])

    def row_cp(k, b):
        return pltpu.make_async_copy(row3.at[wid, k], rowv[b], rs[b])

    def gat_cp(b):
        return pltpu.make_async_copy(xs_hbm.at[colv[b]], rows[b], gs[b])

    def sc_cp(b):
        return pltpu.make_async_copy(rows[b], agg_sh.at[rowv[b]], ss[b])

    col_cp(0, 0).start()
    row_cp(0, 0).start()
    col_cp(1, 1).start()
    row_cp(1, 1).start()
    col_cp(0, 0).wait()
    gat_cp(0).start()

    def step(k, b):
        bn = (b + 1) % 3
        bnn = (b + 2) % 3

        @pl.when(k < CHUNKS)
        def _():
            @pl.when(k >= 2)
            def _():
                sc_cp(bn).wait()
            @pl.when(k + 1 < CHUNKS)
            def _():
                col_cp(k + 1, bn).wait()
                gat_cp(bn).start()
                @pl.when(k >= 1)
                def _():
                    row_cp(k + 1, bn).start()
            @pl.when(k + 2 < CHUNKS)
            def _():
                col_cp(k + 2, bnn).start()
            gat_cp(b).wait()
            row_cp(k, b).wait()
            sc_cp(b).start(add=True)

    def triple(t, carry):
        k = 3 * t
        step(k, 0)
        step(k + 1, 1)
        step(k + 2, 2)
        return carry

    lax.fori_loop(0, (CHUNKS + 2) // 3, triple, 0)
    sc_cp((CHUNKS - 2) % 3).wait()
    sc_cp((CHUNKS - 1) % 3).wait()
    plsc.subcore_barrier()
    pltpu.sync_copy(agg_sh.at[pl.ds(s * ATPT, ATPT)],
                    part_out.at[c, pl.ds(s * ATPT, ATPT)])


def _scale_body(x_ref, deg_ref, xs_ref, dinv_ref):
    d = deg_ref[0] + deg_ref[1]
    dinv = jnp.where(d > 0.0, lax.rsqrt(jnp.where(d > 0.0, d, 1.0)), 0.0)
    dinv_ref[...] = dinv
    xs_ref[...] = x_ref[...] * dinv


def _out_body(p_ref, dinv_ref, w_ref, o_ref):
    sacc = (p_ref[0] + p_ref[1]) * dinv_ref[...]
    o_ref[...] = jnp.dot(sacc, w_ref[...],
                         preferred_element_type=jnp.float32,
                         precision=lax.Precision.HIGHEST)


def kernel(x, r, weight, edge_index, edge_type):
    del r, edge_type
    row = edge_index[0].astype(jnp.int32)
    col = edge_index[1].astype(jnp.int32)
    npad = EPAD - N_EDGES
    pad_ids = jnp.arange(npad, dtype=jnp.int32)
    row_p = jnp.concatenate([row, N_NODES + pad_ids % (AGGR - N_NODES)])
    col_p = jnp.concatenate([col, pad_ids % N_NODES])
    row3 = row_p.reshape(NW, CHUNKS, C)
    col3 = col_p.reshape(NW, CHUNKS, C)
    zer1 = jnp.zeros((DTPT,), jnp.float32)
    zer2 = jnp.zeros((ATPT, D_FEAT), jnp.float32)

    deg_p = _hist_kernel(row3, zer1)
    deg3 = deg_p.reshape(NC, DEGR, 1)

    xs, dinv2 = pl.pallas_call(
        _scale_body,
        grid=(GRID,),
        in_specs=[
            pl.BlockSpec((BLK, D_FEAT), lambda i: (i, 0)),
            pl.BlockSpec((NC, BLK, 1), lambda i: (0, i, 0)),
        ],
        out_specs=[
            pl.BlockSpec((BLK, D_FEAT), lambda i: (i, 0)),
            pl.BlockSpec((BLK, 1), lambda i: (i, 0)),
        ],
        out_shape=[
            jax.ShapeDtypeStruct((N_NODES, D_FEAT), jnp.float32),
            jax.ShapeDtypeStruct((N_NODES, 1), jnp.float32),
        ],
    )(x, deg3)

    part = _agg_kernel(xs, row3, col3, zer2)

    out = pl.pallas_call(
        _out_body,
        grid=(GRID,),
        in_specs=[
            pl.BlockSpec((NC, BLK, D_FEAT), lambda i: (0, i, 0)),
            pl.BlockSpec((BLK, 1), lambda i: (i, 0)),
            pl.BlockSpec((D_FEAT, D_FEAT), lambda i: (0, 0)),
        ],
        out_specs=pl.BlockSpec((BLK, D_FEAT), lambda i: (i, 0)),
        out_shape=jax.ShapeDtypeStruct((N_NODES, D_FEAT), jnp.float32),
    )(part, dinv2, weight)

    return out

# --- scband reference (transcript-rebuilt; emitter-appended) ---
"""Pipeline reference for scband-message-passing-188978561156 (READ-ONLY COPY).

The authoritative reference and input builder live on the scoring server;
editing this copy changes nothing except your own understanding.
"""

import jax, jax.numpy as jnp
import numpy as np

N_NODES = 10000
N_EDGES = 320000
D_FEAT = 128
N_REL = 200


def setup_inputs(seed: int = 0) -> dict:
    key = jax.random.key(seed)
    k1, k2, k3, k4, k5 = jax.random.split(key, 5)
    x = jax.random.normal(k1, (N_NODES, D_FEAT), dtype=jnp.float32)
    r = jax.random.normal(k2, (N_REL, D_FEAT), dtype=jnp.float32)
    # learned projection weight for the 'per_relation' (single head) path
    weight = jax.random.normal(k3, (D_FEAT, D_FEAT), dtype=jnp.float32) * 0.05
    edge_index = jax.random.randint(k4, (2, N_EDGES), 0, N_NODES)
    edge_type = jax.random.randint(k5, (N_EDGES,), 0, N_REL)
    return {"x": x, "r": r, "weight": weight, "edge_index": edge_index, "edge_type": edge_type}


def reference(x, r, weight, edge_index, edge_type):
    # Faithful translation of MessagePassing.propagate with the default
    # (non-basis, non-block, single-head) weight path and edge_norm applied.
    row = edge_index[0]
    col = edge_index[1]
    # gathers performed unconditionally by propagate (h_i, h_j, h_r)
    h_i = jnp.take(x, row, axis=0)
    h_j = jnp.take(x, col, axis=0)
    h_r = jnp.take(r, edge_type, axis=0)
    # base composition returns h_j
    composed = h_j
    # message: mm with weight
    message_per_edge = composed @ weight
    # edge_norm: symmetric degree normalization over dst (row) / src (col)
    edge_weight = jnp.ones_like(row, dtype=message_per_edge.dtype)
    deg = jax.ops.segment_sum(edge_weight, row, num_segments=N_NODES)
    deg_safe = jnp.where(deg > 0, deg, 1.0)
    deg_inv = jnp.where(deg > 0, 1.0 / jnp.sqrt(deg_safe), 0.0)
    norm = deg_inv[row] * edge_weight * deg_inv[col]
    message_per_edge = message_per_edge * norm[:, None]
    # scatter_('add', out, edge_index[0], dim_size=num_entities)
    out = jax.ops.segment_sum(message_per_edge, row, num_segments=N_NODES)
    # update is identity
    return out

if __name__ == "__main__":
    import jax
    _d = setup_inputs()
    print(jax.jit(kernel)(*tuple(_d.values())))

</pallas_src>

<mosaic_0001>
#map = affine_map<(d0, d1) -> (0, 0, 0)>
#map1 = affine_map<(d0, d1) -> (0)>
#map2 = affine_map<(d0, d1) -> (0, 0)>
module attributes {stable_mosaic.version = 14 : i64} {
  func.func @_hist_kernel(%arg0: i32, %arg1: i32, %arg2: memref<32x79x128xi32, #tpu.memory_space<hbm>>, %arg3: memref<640xf32, #tpu.memory_space<hbm>>, %arg4: memref<2x10240xf32, #tpu.memory_space<hbm>>, %arg5: memref<10240xf32, #tpu.memory_space<vmem_shared>>, %arg6: memref<79x128xi32, #tpu.memory_space<vmem>>, %arg7: memref<128xf32, #tpu.memory_space<vmem>>, %arg8: memref<!tpu.dma_semaphore, #tpu.memory_space<semaphore_mem>>, %arg9: memref<!tpu.dma_semaphore, #tpu.memory_space<semaphore_mem>>, %arg10: memref<!tpu.dma_semaphore, #tpu.memory_space<semaphore_mem>>, %arg11: memref<!tpu.dma_semaphore, #tpu.memory_space<semaphore_mem>>, %arg12: memref<!tpu.dma_semaphore, #tpu.memory_space<semaphore_mem>>) attributes {dimension_semantics = [#tpu.dimension_semantics<core_parallel>, #tpu.dimension_semantics<subcore_parallel>], iteration_bounds = array<i64: 2, 16>, scalar_prefetch = 0 : i64, scratch_operands = 8 : i64, tpu.core_type = #tpu.core_type<sc_vector_subcore>, window_params = [{transform_indices = #map}, {transform_indices = #map1}, {transform_indices = #map2}]} {
    %mul3A = arith.constant 2 : i32
    %mul3A_0 = arith.muli %arg1, %mul3A : i32
    %add3A = arith.addi %mul3A_0, %arg0 : i32
    %dma_start3A = arith.constant 0 : i32
    %dma_start3A_1 = arith.constant 0 : i32
    %dma_start3A_2 = tpu.memref_slice %arg2[%add3A, %dma_start3A, %dma_start3A_1] : memref<32x79x128xi32, #tpu.memory_space<hbm>> -> memref<1x79x128xi32, #tpu.memory_space<hbm>>
    %dma_start3A_3 = tpu.memref_squeeze %dma_start3A_2 : memref<1x79x128xi32, #tpu.memory_space<hbm>> -> memref<79x128xi32, #tpu.memory_space<hbm>>
    %dma_start3A_4 = arith.constant 0 : i32
    %dma_start3A_5 = arith.constant 0 : i32
    %dma_start3A_6 = tpu.memref_slice %arg2[%add3A, %dma_start3A_4, %dma_start3A_5] : memref<32x79x128xi32, #tpu.memory_space<hbm>> -> memref<1x79x128xi32, #tpu.memory_space<hbm>>
    %dma_start3A_7 = tpu.memref_squeeze %dma_start3A_6 : memref<1x79x128xi32, #tpu.memory_space<hbm>> -> memref<79x128xi32, #tpu.memory_space<hbm>>
    tpu.enqueue_dma source(%dma_start3A_7 : memref<79x128xi32, #tpu.memory_space<hbm>>) target(%arg6 : memref<79x128xi32, #tpu.memory_space<vmem>>) target_semaphore(%arg8 : memref<!tpu.dma_semaphore, #tpu.memory_space<semaphore_mem>>)
    %mul3A_8 = arith.constant 640 : i32
    %mul3A_9 = arith.muli %arg1, %mul3A_8 : i32
    "tpu.region"() ({
      %run_scoped3A = tpu.sem_alloc : memref<!tpu.dma_semaphore, #tpu.memory_space<semaphore_mem>>
      %dma_start3A_97 = tpu.memref_slice %arg5[%mul3A_9] : memref<10240xf32, #tpu.memory_space<vmem_shared>> -> memref<640xf32, #tpu.memory_space<vmem_shared>>
      tpu.enqueue_dma source(%arg3 : memref<640xf32, #tpu.memory_space<hbm>>) target(%dma_start3A_97 : memref<640xf32, #tpu.memory_space<vmem_shared>>) target_semaphore(%run_scoped3A : memref<!tpu.dma_semaphore, #tpu.memory_space<semaphore_mem>>)
      %dma_wait3A_98 = tpu.memref_slice %arg5[%mul3A_9] : memref<10240xf32, #tpu.memory_space<vmem_shared>> -> memref<640xf32, #tpu.memory_space<vmem_shared>>
      tpu.wait_dma2 semaphore(%run_scoped3A : memref<!tpu.dma_semaphore, #tpu.memory_space<semaphore_mem>>) src(%arg3 : memref<640xf32, #tpu.memory_space<hbm>>) dst(%dma_wait3A_98 : memref<640xf32, #tpu.memory_space<vmem_shared>>)
      tpu.yield
    }) : () -> ()
    %broadcast_in_dim3A = arith.constant 1.000000e+00 : f32
    %broadcast_in_dim3A_10 = vector.broadcast %broadcast_in_dim3A : f32 to vector<16xf32>
    %swap3A = arith.constant 0 : index
    %swap3A_11 = tpu.vector_load %arg7[%swap3A] {strides = array<i32>} : memref<128xf32, #tpu.memory_space<vmem>>, vector<16xf32>,
    %swap3A_12 = vector.shape_cast %swap3A_11 : vector<16xf32> to vector<16xf32>
    %swap3A_13 = vector.shape_cast %broadcast_in_dim3A_10 : vector<16xf32> to vector<16xf32>
    tpu.vector_store %arg7[%swap3A], %swap3A_13 {strides = array<i32>} : memref<128xf32, #tpu.memory_space<vmem>>, vector<16xf32>,
    %broadcast_in_dim3A_14 = arith.constant 1.000000e+00 : f32
    %broadcast_in_dim3A_15 = vector.broadcast %broadcast_in_dim3A_14 : f32 to vector<16xf32>
    %swap3A_16 = arith.constant 16 : index
    %swap3A_17 = tpu.vector_load %arg7[%swap3A_16] {strides = array<i32>} : memref<128xf32, #tpu.memory_space<vmem>>, vector<16xf32>,
    %swap3A_18 = vector.shape_cast %swap3A_17 : vector<16xf32> to vector<16xf32>
    %swap3A_19 = vector.shape_cast %broadcast_in_dim3A_15 : vector<16xf32> to vector<16xf32>
    tpu.vector_store %arg7[%swap3A_16], %swap3A_19 {strides = array<i32>} : memref<128xf32, #tpu.memory_space<vmem>>, vector<16xf32>,
    %broadcast_in_dim3A_20 = arith.constant 1.000000e+00 : f32
    %broadcast_in_dim3A_21 = vector.broadcast %broadcast_in_dim3A_20 : f32 to vector<16xf32>
    %swap3A_22 = arith.constant 32 : index
    %swap3A_23 = tpu.vector_load %arg7[%swap3A_22] {strides = array<i32>} : memref<128xf32, #tpu.memory_space<vmem>>, vector<16xf32>,
    %swap3A_24 = vector.shape_cast %swap3A_23 : vector<16xf32> to vector<16xf32>
    %swap3A_25 = vector.shape_cast %broadcast_in_dim3A_21 : vector<16xf32> to vector<16xf32>
    tpu.vector_store %arg7[%swap3A_22], %swap3A_25 {strides = array<i32>} : memref<128xf32, #tpu.memory_space<vmem>>, vector<16xf32>,
    %broadcast_in_dim3A_26 = arith.constant 1.000000e+00 : f32
    %broadcast_in_dim3A_27 = vector.broadcast %broadcast_in_dim3A_26 : f32 to vector<16xf32>
    %swap3A_28 = arith.constant 48 : index
    %swap3A_29 = tpu.vector_load %arg7[%swap3A_28] {strides = array<i32>} : memref<128xf32, #tpu.memory_space<vmem>>, vector<16xf32>,
    %swap3A_30 = vector.shape_cast %swap3A_29 : vector<16xf32> to vector<16xf32>
    %swap3A_31 = vector.shape_cast %broadcast_in_dim3A_27 : vector<16xf32> to vector<16xf32>
    tpu.vector_store %arg7[%swap3A_28], %swap3A_31 {strides = array<i32>} : memref<128xf32, #tpu.memory_space<vmem>>, vector<16xf32>,
    %broadcast_in_dim3A_32 = arith.constant 1.000000e+00 : f32
    %broadcast_in_dim3A_33 = vector.broadcast %broadcast_in_dim3A_32 : f32 to vector<16xf32>
    %swap3A_34 = arith.constant 64 : index
    %swap3A_35 = tpu.vector_load %arg7[%swap3A_34] {strides = array<i32>} : memref<128xf32, #tpu.memory_space<vmem>>, vector<16xf32>,
    %swap3A_36 = vector.shape_cast %swap3A_35 : vector<16xf32> to vector<16xf32>
    %swap3A_37 = vector.shape_cast %broadcast_in_dim3A_33 : vector<16xf32> to vector<16xf32>
    tpu.vector_store %arg7[%swap3A_34], %swap3A_37 {strides = array<i32>} : memref<128xf32, #tpu.memory_space<vmem>>, vector<16xf32>,
    %broadcast_in_dim3A_38 = arith.constant 1.000000e+00 : f32
    %broadcast_in_dim3A_39 = vector.broadcast %broadcast_in_dim3A_38 : f32 to vector<16xf32>
    %swap3A_40 = arith.constant 80 : index
    %swap3A_41 = tpu.vector_load %arg7[%swap3A_40] {strides = array<i32>} : memref<128xf32, #tpu.memory_space<vmem>>, vector<16xf32>,
    %swap3A_42 = vector.shape_cast %swap3A_41 : vector<16xf32> to vector<16xf32>
    %swap3A_43 = vector.shape_cast %broadcast_in_dim3A_39 : vector<16xf32> to vector<16xf32>
    tpu.vector_store %arg7[%swap3A_40], %swap3A_43 {strides = array<i32>} : memref<128xf32, #tpu.memory_space<vmem>>, vector<16xf32>,
    %broadcast_in_dim3A_44 = arith.constant 1.000000e+00 : f32
    %broadcast_in_dim3A_45 = vector.broadcast %broadcast_in_dim3A_44 : f32 to vector<16xf32>
    %swap3A_46 = arith.constant 96 : index
    %swap3A_47 = tpu.vector_load %arg7[%swap3A_46] {strides = array<i32>} : memref<128xf32, #tpu.memory_space<vmem>>, vector<16xf32>,
    %swap3A_48 = vector.shape_cast %swap3A_47 : vector<16xf32> to vector<16xf32>
    %swap3A_49 = vector.shape_cast %broadcast_in_dim3A_45 : vector<16xf32> to vector<16xf32>
    tpu.vector_store %arg7[%swap3A_46], %swap3A_49 {strides = array<i32>} : memref<128xf32, #tpu.memory_space<vmem>>, vector<16xf32>,
    %broadcast_in_dim3A_50 = arith.constant 1.000000e+00 : f32
    %broadcast_in_dim3A_51 = vector.broadcast %broadcast_in_dim3A_50 : f32 to vector<16xf32>
    %swap3A_52 = arith.constant 112 : index
    %swap3A_53 = tpu.vector_load %arg7[%swap3A_52] {strides = array<i32>} : memref<128xf32, #tpu.memory_space<vmem>>, vector<16xf32>,
    %swap3A_54 = vector.shape_cast %swap3A_53 : vector<16xf32> to vector<16xf32>
    %swap3A_55 = vector.shape_cast %broadcast_in_dim3A_51 : vector<16xf32> to vector<16xf32>
    tpu.vector_store %arg7[%swap3A_52], %swap3A_55 {strides = array<i32>} : memref<128xf32, #tpu.memory_space<vmem>>, vector<16xf32>,
    %dma_wait3A = arith.constant 0 : i32
    %dma_wait3A_56 = arith.constant 0 : i32
    %dma_wait3A_57 = tpu.memref_slice %arg2[%add3A, %dma_wait3A, %dma_wait3A_56] : memref<32x79x128xi32, #tpu.memory_space<hbm>> -> memref<1x79x128xi32, #tpu.memory_space<hbm>>
    %dma_wait3A_58 = tpu.memref_squeeze %dma_wait3A_57 : memref<1x79x128xi32, #tpu.memory_space<hbm>> -> memref<79x128xi32, #tpu.memory_space<hbm>>
    %dma_wait3A_59 = arith.constant 0 : i32
    %dma_wait3A_60 = arith.constant 0 : i32
    %dma_wait3A_61 = tpu.memref_slice %arg2[%add3A, %dma_wait3A_59, %dma_wait3A_60] : memref<32x79x128xi32, #tpu.memory_space<hbm>> -> memref<1x79x128xi32, #tpu.memory_space<hbm>>
    %dma_wait3A_62 = tpu.memref_squeeze %dma_wait3A_61 : memref<1x79x128xi32, #tpu.memory_space<hbm>> -> memref<79x128xi32, #tpu.memory_space<hbm>>
    tpu.wait_dma2 semaphore(%arg8 : memref<!tpu.dma_semaphore, #tpu.memory_space<semaphore_mem>>) src(%dma_wait3A_62 : memref<79x128xi32, #tpu.memory_space<hbm>>) dst(%arg6 : memref<79x128xi32, #tpu.memory_space<vmem>>)
    %barrier3A = arith.constant 0 : index
    tpu.barrier barrier_id(%barrier3A)
    %scan3A = arith.constant 0 : i32
    %scan3A_63 = arith.constant 0 : i32
    %scan3A_64 = arith.constant 20 : i32
    %scan3A_65 = arith.addi %scan3A_63, %scan3A_64 : i32
    %scan3A_66 = arith.constant 1 : i32
    scf.for %scan3A_97 = %scan3A_63 to %scan3A_65 step %scan3A_66  : i32 {
      %mul3A_98 = arith.constant 4 : i32
      %mul3A_99 = arith.muli %mul3A_98, %scan3A_97 : i32
      %lt3A = arith.constant 79 : i32
      %lt3A_100 = arith.cmpi slt, %mul3A_99, %lt3A : i32
      %convert_element_type3A = arith.extui %lt3A_100 : i1 to i32
      %cond3A = arith.constant 0 : i32
      %cond3A_101 = arith.cmpi ne, %convert_element_type3A, %cond3A : i32
      scf.if %cond3A_101 {
        %ge3A = arith.constant 4 : i32
        %ge3A_123 = arith.cmpi sge, %mul3A_99, %ge3A : i32
        %convert_element_type3A_124 = arith.extui %ge3A_123 : i1 to i32
        %cond3A_125 = arith.constant 0 : i32
        %cond3A_126 = arith.cmpi ne, %convert_element_type3A_124, %cond3A_125 : i32
        scf.if %cond3A_126 {
          %sub3A = arith.constant 4 : i32
          %sub3A_132 = arith.subi %mul3A_99, %sub3A : i32
          %dma_wait3A_133 = arith.constant 0 : i32
          %dma_wait3A_134 = tpu.memref_slice %arg6[%sub3A_132, %dma_wait3A_133] : memref<79x128xi32, #tpu.memory_space<vmem>> -> memref<1x128xi32, #tpu.memory_space<vmem>>
          %dma_wait3A_135 = tpu.memref_squeeze %dma_wait3A_134 : memref<1x128xi32, #tpu.memory_space<vmem>> -> memref<128xi32, #tpu.memory_space<vmem>>
          %dma_wait3A_136 = arith.constant 0 : i32
          %dma_wait3A_137 = tpu.memref_slice %arg5[%dma_wait3A_136] : memref<10240xf32, #tpu.memory_space<vmem_shared>> -> memref<10240xf32, #tpu.memory_space<vmem_shared>>
          tpu.wait_indirect_dma semaphore(%arg9 : memref<!tpu.dma_semaphore, #tpu.memory_space<semaphore_mem>>) src(%arg7 : memref<128xf32, #tpu.memory_space<vmem>>) dst(%dma_wait3A_137 : memref<10240xf32, #tpu.memory_space<vmem_shared>>)
        } else {
        }
        %dma_start3A_127 = arith.constant 0 : i32
        %dma_start3A_128 = tpu.memref_slice %arg6[%mul3A_99, %dma_start3A_127] : memref<79x128xi32, #tpu.memory_space<vmem>> -> memref<1x128xi32, #tpu.memory_space<vmem>>
        %dma_start3A_129 = tpu.memref_squeeze %dma_start3A_128 : memref<1x128xi32, #tpu.memory_space<vmem>> -> memref<128xi32, #tpu.memory_space<vmem>>
        %dma_start3A_130 = arith.constant 0 : i32
        %dma_start3A_131 = tpu.memref_slice %arg5[%dma_start3A_130] : memref<10240xf32, #tpu.memory_space<vmem_shared>> -> memref<10240xf32, #tpu.memory_space<vmem_shared>>
        tpu.enqueue_indirect_dma source(%arg7 : memref<128xf32, #tpu.memory_space<vmem>>) target(%dma_start3A_131 : memref<10240xf32, #tpu.memory_space<vmem_shared>>) offsets(%dma_start3A_129 : memref<128xi32, #tpu.memory_space<vmem>>) semaphore(%arg9 : memref<!tpu.dma_semaphore, #tpu.memory_space<semaphore_mem>>) {add = true}
      } else {
      }
      %add3A_102 = arith.constant 1 : i32
      %add3A_103 = arith.addi %mul3A_99, %add3A_102 : i32
      %lt3A_104 = arith.constant 79 : i32
      %lt3A_105 = arith.cmpi slt, %add3A_103, %lt3A_104 : i32
      %convert_element_type3A_106 = arith.extui %lt3A_105 : i1 to i32
      %cond3A_107 = arith.constant 0 : i32
      %cond3A_108 = arith.cmpi ne, %convert_element_type3A_106, %cond3A_107 : i32
      scf.if %cond3A_108 {
        %ge3A = arith.constant 4 : i32
        %ge3A_123 = arith.cmpi sge, %add3A_103, %ge3A : i32
        %convert_element_type3A_124 = arith.extui %ge3A_123 : i1 to i32
        %cond3A_125 = arith.constant 0 : i32
        %cond3A_126 = arith.cmpi ne, %convert_element_type3A_124, %cond3A_125 : i32
        scf.if %cond3A_126 {
          %sub3A = arith.constant 4 : i32
          %sub3A_132 = arith.subi %add3A_103, %sub3A : i32
          %dma_wait3A_133 = arith.constant 0 : i32
          %dma_wait3A_134 = tpu.memref_slice %arg6[%sub3A_132, %dma_wait3A_133] : memref<79x128xi32, #tpu.memory_space<vmem>> -> memref<1x128xi32, #tpu.memory_space<vmem>>
          %dma_wait3A_135 = tpu.memref_squeeze %dma_wait3A_134 : memref<1x128xi32, #tpu.memory_space<vmem>> -> memref<128xi32, #tpu.memory_space<vmem>>
          %dma_wait3A_136 = arith.constant 0 : i32
          %dma_wait3A_137 = tpu.memref_slice %arg5[%dma_wait3A_136] : memref<10240xf32, #tpu.memory_space<vmem_shared>> -> memref<10240xf32, #tpu.memory_space<vmem_shared>>
          tpu.wait_indirect_dma semaphore(%arg10 : memref<!tpu.dma_semaphore, #tpu.memory_space<semaphore_mem>>) src(%arg7 : memref<128xf32, #tpu.memory_space<vmem>>) dst(%dma_wait3A_137 : memref<10240xf32, #tpu.memory_space<vmem_shared>>)
        } else {
        }
        %dma_start3A_127 = arith.constant 0 : i32
        %dma_start3A_128 = tpu.memref_slice %arg6[%add3A_103, %dma_start3A_127] : memref<79x128xi32, #tpu.memory_space<vmem>> -> memref<1x128xi32, #tpu.memory_space<vmem>>
        %dma_start3A_129 = tpu.memref_squeeze %dma_start3A_128 : memref<1x128xi32, #tpu.memory_space<vmem>> -> memref<128xi32, #tpu.memory_space<vmem>>
        %dma_start3A_130 = arith.constant 0 : i32
        %dma_start3A_131 = tpu.memref_slice %arg5[%dma_start3A_130] : memref<10240xf32, #tpu.memory_space<vmem_shared>> -> memref<10240xf32, #tpu.memory_space<vmem_shared>>
        tpu.enqueue_indirect_dma source(%arg7 : memref<128xf32, #tpu.memory_space<vmem>>) target(%dma_start3A_131 : memref<10240xf32, #tpu.memory_space<vmem_shared>>) offsets(%dma_start3A_129 : memref<128xi32, #tpu.memory_space<vmem>>) semaphore(%arg10 : memref<!tpu.dma_semaphore, #tpu.memory_space<semaphore_mem>>) {add = true}
      } else {
      }
      %add3A_109 = arith.constant 2 : i32
      %add3A_110 = arith.addi %mul3A_99, %add3A_109 : i32
      %lt3A_111 = arith.constant 79 : i32
      %lt3A_112 = arith.cmpi slt, %add3A_110, %lt3A_111 : i32
      %convert_element_type3A_113 = arith.extui %lt3A_112 : i1 to i32
      %cond3A_114 = arith.constant 0 : i32
      %cond3A_115 = arith.cmpi ne, %convert_element_type3A_113, %cond3A_114 : i32
      scf.if %cond3A_115 {
        %ge3A = arith.constant 4 : i32
        %ge3A_123 = arith.cmpi sge, %add3A_110, %ge3A : i32
        %convert_element_type3A_124 = arith.extui %ge3A_123 : i1 to i32
        %cond3A_125 = arith.constant 0 : i32
        %cond3A_126 = arith.cmpi ne, %convert_element_type3A_124, %cond3A_125 : i32
        scf.if %cond3A_126 {
          %sub3A = arith.constant 4 : i32
          %sub3A_132 = arith.subi %add3A_110, %sub3A : i32
          %dma_wait3A_133 = arith.constant 0 : i32
          %dma_wait3A_134 = tpu.memref_slice %arg6[%sub3A_132, %dma_wait3A_133] : memref<79x128xi32, #tpu.memory_space<vmem>> -> memref<1x128xi32, #tpu.memory_space<vmem>>
          %dma_wait3A_135 = tpu.memref_squeeze %dma_wait3A_134 : memref<1x128xi32, #tpu.memory_space<vmem>> -> memref<128xi32, #tpu.memory_space<vmem>>
          %dma_wait3A_136 = arith.constant 0 : i32
          %dma_wait3A_137 = tpu.memref_slice %arg5[%dma_wait3A_136] : memref<10240xf32, #tpu.memory_space<vmem_shared>> -> memref<10240xf32, #tpu.memory_space<vmem_shared>>
          tpu.wait_indirect_dma semaphore(%arg11 : memref<!tpu.dma_semaphore, #tpu.memory_space<semaphore_mem>>) src(%arg7 : memref<128xf32, #tpu.memory_space<vmem>>) dst(%dma_wait3A_137 : memref<10240xf32, #tpu.memory_space<vmem_shared>>)
        } else {
        }
        %dma_start3A_127 = arith.constant 0 : i32
        %dma_start3A_128 = tpu.memref_slice %arg6[%add3A_110, %dma_start3A_127] : memref<79x128xi32, #tpu.memory_space<vmem>> -> memref<1x128xi32, #tpu.memory_space<vmem>>
        %dma_start3A_129 = tpu.memref_squeeze %dma_start3A_128 : memref<1x128xi32, #tpu.memory_space<vmem>> -> memref<128xi32, #tpu.memory_space<vmem>>
        %dma_start3A_130 = arith.constant 0 : i32
        %dma_start3A_131 = tpu.memref_slice %arg5[%dma_start3A_130] : memref<10240xf32, #tpu.memory_space<vmem_shared>> -> memref<10240xf32, #tpu.memory_space<vmem_shared>>
        tpu.enqueue_indirect_dma source(%arg7 : memref<128xf32, #tpu.memory_space<vmem>>) target(%dma_start3A_131 : memref<10240xf32, #tpu.memory_space<vmem_shared>>) offsets(%dma_start3A_129 : memref<128xi32, #tpu.memory_space<vmem>>) semaphore(%arg11 : memref<!tpu.dma_semaphore, #tpu.memory_space<semaphore_mem>>) {add = true}
      } else {
      }
      %add3A_116 = arith.constant 3 : i32
      %add3A_117 = arith.addi %mul3A_99, %add3A_116 : i32
      %lt3A_118 = arith.constant 79 : i32
      %lt3A_119 = arith.cmpi slt, %add3A_117, %lt3A_118 : i32
      %convert_element_type3A_120 = arith.extui %lt3A_119 : i1 to i32
      %cond3A_121 = arith.constant 0 : i32
      %cond3A_122 = arith.cmpi ne, %convert_element_type3A_120, %cond3A_121 : i32
      scf.if %cond3A_122 {
        %ge3A = arith.constant 4 : i32
        %ge3A_123 = arith.cmpi sge, %add3A_117, %ge3A : i32
        %convert_element_type3A_124 = arith.extui %ge3A_123 : i1 to i32
        %cond3A_125 = arith.constant 0 : i32
        %cond3A_126 = arith.cmpi ne, %convert_element_type3A_124, %cond3A_125 : i32
        scf.if %cond3A_126 {
          %sub3A = arith.constant 4 : i32
          %sub3A_132 = arith.subi %add3A_117, %sub3A : i32
          %dma_wait3A_133 = arith.constant 0 : i32
          %dma_wait3A_134 = tpu.memref_slice %arg6[%sub3A_132, %dma_wait3A_133] : memref<79x128xi32, #tpu.memory_space<vmem>> -> memref<1x128xi32, #tpu.memory_space<vmem>>
          %dma_wait3A_135 = tpu.memref_squeeze %dma_wait3A_134 : memref<1x128xi32, #tpu.memory_space<vmem>> -> memref<128xi32, #tpu.memory_space<vmem>>
          %dma_wait3A_136 = arith.constant 0 : i32
          %dma_wait3A_137 = tpu.memref_slice %arg5[%dma_wait3A_136] : memref<10240xf32, #tpu.memory_space<vmem_shared>> -> memref<10240xf32, #tpu.memory_space<vmem_shared>>
          tpu.wait_indirect_dma semaphore(%arg12 : memref<!tpu.dma_semaphore, #tpu.memory_space<semaphore_mem>>) src(%arg7 : memref<128xf32, #tpu.memory_space<vmem>>) dst(%dma_wait3A_137 : memref<10240xf32, #tpu.memory_space<vmem_shared>>)
        } else {
        }
        %dma_start3A_127 = arith.constant 0 : i32
        %dma_start3A_128 = tpu.memref_slice %arg6[%add3A_117, %dma_start3A_127] : memref<79x128xi32, #tpu.memory_space<vmem>> -> memref<1x128xi32, #tpu.memory_space<vmem>>
        %dma_start3A_129 = tpu.memref_squeeze %dma_start3A_128 : memref<1x128xi32, #tpu.memory_space<vmem>> -> memref<128xi32, #tpu.memory_space<vmem>>
        %dma_start3A_130 = arith.constant 0 : i32
        %dma_start3A_131 = tpu.memref_slice %arg5[%dma_start3A_130] : memref<10240xf32, #tpu.memory_space<vmem_shared>> -> memref<10240xf32, #tpu.memory_space<vmem_shared>>
        tpu.enqueue_indirect_dma source(%arg7 : memref<128xf32, #tpu.memory_space<vmem>>) target(%dma_start3A_131 : memref<10240xf32, #tpu.memory_space<vmem_shared>>) offsets(%dma_start3A_129 : memref<128xi32, #tpu.memory_space<vmem>>) semaphore(%arg12 : memref<!tpu.dma_semaphore, #tpu.memory_space<semaphore_mem>>) {add = true}
      } else {
      }
    }
    %scan3A_67 = arith.constant 20 : i32
    %dma_wait3A_68 = arith.constant 75 : i32
    %dma_wait3A_69 = arith.constant 0 : i32
    %dma_wait3A_70 = tpu.memref_slice %arg6[%dma_wait3A_68, %dma_wait3A_69] : memref<79x128xi32, #tpu.memory_space<vmem>> -> memref<1x128xi32, #tpu.memory_space<vmem>>
    %dma_wait3A_71 = tpu.memref_squeeze %dma_wait3A_70 : memref<1x128xi32, #tpu.memory_space<vmem>> -> memref<128xi32, #tpu.memory_space<vmem>>
    %dma_wait3A_72 = arith.constant 0 : i32
    %dma_wait3A_73 = tpu.memref_slice %arg5[%dma_wait3A_72] : memref<10240xf32, #tpu.memory_space<vmem_shared>> -> memref<10240xf32, #tpu.memory_space<vmem_shared>>
    tpu.wait_indirect_dma semaphore(%arg12 : memref<!tpu.dma_semaphore, #tpu.memory_space<semaphore_mem>>) src(%arg7 : memref<128xf32, #tpu.memory_space<vmem>>) dst(%dma_wait3A_73 : memref<10240xf32, #tpu.memory_space<vmem_shared>>)
    %dma_wait3A_74 = arith.constant 76 : i32
    %dma_wait3A_75 = arith.constant 0 : i32
    %dma_wait3A_76 = tpu.memref_slice %arg6[%dma_wait3A_74, %dma_wait3A_75] : memref<79x128xi32, #tpu.memory_space<vmem>> -> memref<1x128xi32, #tpu.memory_space<vmem>>
    %dma_wait3A_77 = tpu.memref_squeeze %dma_wait3A_76 : memref<1x128xi32, #tpu.memory_space<vmem>> -> memref<128xi32, #tpu.memory_space<vmem>>
    %dma_wait3A_78 = arith.constant 0 : i32
    %dma_wait3A_79 = tpu.memref_slice %arg5[%dma_wait3A_78] : memref<10240xf32, #tpu.memory_space<vmem_shared>> -> memref<10240xf32, #tpu.memory_space<vmem_shared>>
    tpu.wait_indirect_dma semaphore(%arg9 : memref<!tpu.dma_semaphore, #tpu.memory_space<semaphore_mem>>) src(%arg7 : memref<128xf32, #tpu.memory_space<vmem>>) dst(%dma_wait3A_79 : memref<10240xf32, #tpu.memory_space<vmem_shared>>)
    %dma_wait3A_80 = arith.constant 77 : i32
    %dma_wait3A_81 = arith.constant 0 : i32
    %dma_wait3A_82 = tpu.memref_slice %arg6[%dma_wait3A_80, %dma_wait3A_81] : memref<79x128xi32, #tpu.memory_space<vmem>> -> memref<1x128xi32, #tpu.memory_space<vmem>>
    %dma_wait3A_83 = tpu.memref_squeeze %dma_wait3A_82 : memref<1x128xi32, #tpu.memory_space<vmem>> -> memref<128xi32, #tpu.memory_space<vmem>>
    %dma_wait3A_84 = arith.constant 0 : i32
    %dma_wait3A_85 = tpu.memref_slice %arg5[%dma_wait3A_84] : memref<10240xf32, #tpu.memory_space<vmem_shared>> -> memref<10240xf32, #tpu.memory_space<vmem_shared>>
    tpu.wait_indirect_dma semaphore(%arg10 : memref<!tpu.dma_semaphore, #tpu.memory_space<semaphore_mem>>) src(%arg7 : memref<128xf32, #tpu.memory_space<vmem>>) dst(%dma_wait3A_85 : memref<10240xf32, #tpu.memory_space<vmem_shared>>)
    %dma_wait3A_86 = arith.constant 78 : i32
    %dma_wait3A_87 = arith.constant 0 : i32
    %dma_wait3A_88 = tpu.memref_slice %arg6[%dma_wait3A_86, %dma_wait3A_87] : memref<79x128xi32, #tpu.memory_space<vmem>> -> memref<1x128xi32, #tpu.memory_space<vmem>>
    %dma_wait3A_89 = tpu.memref_squeeze %dma_wait3A_88 : memref<1x128xi32, #tpu.memory_space<vmem>> -> memref<128xi32, #tpu.memory_space<vmem>>
    %dma_wait3A_90 = arith.constant 0 : i32
    %dma_wait3A_91 = tpu.memref_slice %arg5[%dma_wait3A_90] : memref<10240xf32, #tpu.memory_space<vmem_shared>> -> memref<10240xf32, #tpu.memory_space<vmem_shared>>
    tpu.wait_indirect_dma semaphore(%arg11 : memref<!tpu.dma_semaphore, #tpu.memory_space<semaphore_mem>>) src(%arg7 : memref<128xf32, #tpu.memory_space<vmem>>) dst(%dma_wait3A_91 : memref<10240xf32, #tpu.memory_space<vmem_shared>>)
    %barrier3A_92 = arith.constant 0 : index
    tpu.barrier barrier_id(%barrier3A_92)
    %mul3A_93 = arith.constant 640 : i32
    %mul3A_94 = arith.muli %arg1, %mul3A_93 : i32
    %mul3A_95 = arith.constant 640 : i32
    %mul3A_96 = arith.muli %arg1, %mul3A_95 : i32
    "tpu.region"() ({
      %run_scoped3A = tpu.sem_alloc : memref<!tpu.dma_semaphore, #tpu.memory_space<semaphore_mem>>
      %dma_start3A_97 = tpu.memref_slice %arg4[%arg0, %mul3A_96] : memref<2x10240xf32, #tpu.memory_space<hbm>> -> memref<1x640xf32, #tpu.memory_space<hbm>>
      %dma_start3A_98 = tpu.memref_squeeze %dma_start3A_97 : memref<1x640xf32, #tpu.memory_space<hbm>> -> memref<640xf32, #tpu.memory_space<hbm>>
      %dma_start3A_99 = tpu.memref_slice %arg5[%mul3A_94] : memref<10240xf32, #tpu.memory_space<vmem_shared>> -> memref<640xf32, #tpu.memory_space<vmem_shared>>
      tpu.enqueue_dma source(%dma_start3A_99 : memref<640xf32, #tpu.memory_space<vmem_shared>>) target(%dma_start3A_98 : memref<640xf32, #tpu.memory_space<hbm>>) target_semaphore(%run_scoped3A : memref<!tpu.dma_semaphore, #tpu.memory_space<semaphore_mem>>)
      %dma_wait3A_100 = tpu.memref_slice %arg4[%arg0, %mul3A_96] : memref<2x10240xf32, #tpu.memory_space<hbm>> -> memref<1x640xf32, #tpu.memory_space<hbm>>
      %dma_wait3A_101 = tpu.memref_squeeze %dma_wait3A_100 : memref<1x640xf32, #tpu.memory_space<hbm>> -> memref<640xf32, #tpu.memory_space<hbm>>
      %dma_wait3A_102 = tpu.memref_slice %arg5[%mul3A_94] : memref<10240xf32, #tpu.memory_space<vmem_shared>> -> memref<640xf32, #tpu.memory_space<vmem_shared>>
      tpu.wait_dma2 semaphore(%run_scoped3A : memref<!tpu.dma_semaphore, #tpu.memory_space<semaphore_mem>>) src(%dma_wait3A_102 : memref<640xf32, #tpu.memory_space<vmem_shared>>) dst(%dma_wait3A_101 : memref<640xf32, #tpu.memory_space<hbm>>)
      tpu.yield
    }) : () -> ()
    return
  }
}

#map = affine_map<(d0, d1) -> (0, 0)>
#map1 = affine_map<(d0, d1) -> (0, 0, 0)>
module attributes {stable_mosaic.version = 14 : i64} {
  func.func @_agg_kernel(%arg0: i32, %arg1: i32, %arg2: memref<10000x128xf32, #tpu.memory_space<hbm>>, %arg3: memref<32x79x128xi32, #tpu.memory_space<hbm>>, %arg4: memref<32x79x128xi32, #tpu.memory_space<hbm>>, %arg5: memref<632x128xf32, #tpu.memory_space<hbm>>, %arg6: memref<2x10112x128xf32, #tpu.memory_space<hbm>>, %arg7: memref<10112x128xf32, #tpu.memory_space<vmem_shared>>, %arg8: memref<128xi32, #tpu.memory_space<vmem>>, %arg9: memref<128xi32, #tpu.memory_space<vmem>>, %arg10: memref<128xi32, #tpu.memory_space<vmem>>, %arg11: memref<128xi32, #tpu.memory_space<vmem>>, %arg12: memref<128xi32, #tpu.memory_space<vmem>>, %arg13: memref<128xi32, #tpu.memory_space<vmem>>, %arg14: memref<128x128xf32, #tpu.memory_space<vmem>>, %arg15: memref<128x128xf32, #tpu.memory_space<vmem>>, %arg16: memref<128x128xf32, #tpu.memory_space<vmem>>, %arg17: memref<!tpu.dma_semaphore, #tpu.memory_space<semaphore_mem>>, %arg18: memref<!tpu.dma_semaphore, #tpu.memory_space<semaphore_mem>>, %arg19: memref<!tpu.dma_semaphore, #tpu.memory_space<semaphore_mem>>, %arg20: memref<!tpu.dma_semaphore, #tpu.memory_space<semaphore_mem>>, %arg21: memref<!tpu.dma_semaphore, #tpu.memory_space<semaphore_mem>>, %arg22: memref<!tpu.dma_semaphore, #tpu.memory_space<semaphore_mem>>, %arg23: memref<!tpu.dma_semaphore, #tpu.memory_space<semaphore_mem>>, %arg24: memref<!tpu.dma_semaphore, #tpu.memory_space<semaphore_mem>>, %arg25: memref<!tpu.dma_semaphore, #tpu.memory_space<semaphore_mem>>, %arg26: memref<!tpu.dma_semaphore, #tpu.memory_space<semaphore_mem>>, %arg27: memref<!tpu.dma_semaphore, #tpu.memory_space<semaphore_mem>>, %arg28: memref<!tpu.dma_semaphore, #tpu.memory_space<semaphore_mem>>) attributes {dimension_semantics = [#tpu.dimension_semantics<core_parallel>, #tpu.dimension_semantics<subcore_parallel>], iteration_bounds = array<i64: 2, 16>, scalar_prefetch = 0 : i64, scratch_operands = 22 : i64, tpu.core_type = #tpu.core_type<sc_vector_subcore>, window_params = [{transform_indices = #map}, {transform_indices = #map1}, {transform_indices = #map1}, {transform_indices = #map}, {transform_indices = #map1}]} {
    %mul3A = arith.constant 2 : i32
    %mul3A_0 = arith.muli %arg1, %mul3A : i32
    %add3A = arith.addi %mul3A_0, %arg0 : i32
    %mul3A_1 = arith.constant 632 : i32
    %mul3A_2 = arith.muli %arg1, %mul3A_1 : i32
    "tpu.region"() ({
      %run_scoped3A = tpu.sem_alloc : memref<!tpu.dma_semaphore, #tpu.memory_space<semaphore_mem>>
      %dma_start3A_55 = arith.constant 0 : i32
      %dma_start3A_56 = tpu.memref_slice %arg7[%mul3A_2, %dma_start3A_55] : memref<10112x128xf32, #tpu.memory_space<vmem_shared>> -> memref<632x128xf32, #tpu.memory_space<vmem_shared>>
      tpu.enqueue_dma source(%arg5 : memref<632x128xf32, #tpu.memory_space<hbm>>) target(%dma_start3A_56 : memref<632x128xf32, #tpu.memory_space<vmem_shared>>) target_semaphore(%run_scoped3A : memref<!tpu.dma_semaphore, #tpu.memory_space<semaphore_mem>>)
      %dma_wait3A_57 = arith.constant 0 : i32
      %dma_wait3A_58 = tpu.memref_slice %arg7[%mul3A_2, %dma_wait3A_57] : memref<10112x128xf32, #tpu.memory_space<vmem_shared>> -> memref<632x128xf32, #tpu.memory_space<vmem_shared>>
      tpu.wait_dma2 semaphore(%run_scoped3A : memref<!tpu.dma_semaphore, #tpu.memory_space<semaphore_mem>>) src(%arg5 : memref<632x128xf32, #tpu.memory_space<hbm>>) dst(%dma_wait3A_58 : memref<632x128xf32, #tpu.memory_space<vmem_shared>>)
      tpu.yield
    }) : () -> ()
    %barrier3A = arith.constant 0 : index
    tpu.barrier barrier_id(%barrier3A)
    %dma_start3A = arith.constant 0 : i32
    %dma_start3A_3 = arith.constant 0 : i32
    %dma_start3A_4 = tpu.memref_slice %arg4[%add3A, %dma_start3A, %dma_start3A_3] : memref<32x79x128xi32, #tpu.memory_space<hbm>> -> memref<1x1x128xi32, #tpu.memory_space<hbm>>
    %dma_start3A_5 = tpu.memref_squeeze %dma_start3A_4 : memref<1x1x128xi32, #tpu.memory_space<hbm>> -> memref<128xi32, #tpu.memory_space<hbm>>
    %dma_start3A_6 = arith.constant 0 : i32
    %dma_start3A_7 = tpu.memref_slice %arg4[%add3A, %dma_start3A, %dma_start3A_6] : memref<32x79x128xi32, #tpu.memory_space<hbm>> -> memref<1x1x128xi32, #tpu.memory_space<hbm>>
    %dma_start3A_8 = tpu.memref_squeeze %dma_start3A_7 : memref<1x1x128xi32, #tpu.memory_space<hbm>> -> memref<128xi32, #tpu.memory_space<hbm>>
    tpu.enqueue_dma source(%dma_start3A_8 : memref<128xi32, #tpu.memory_space<hbm>>) target(%arg8 : memref<128xi32, #tpu.memory_space<vmem>>) target_semaphore(%arg17 : memref<!tpu.dma_semaphore, #tpu.memory_space<semaphore_mem>>)
    %dma_start3A_9 = arith.constant 0 : i32
    %dma_start3A_10 = arith.constant 0 : i32
    %dma_start3A_11 = tpu.memref_slice %arg3[%add3A, %dma_start3A_9, %dma_start3A_10] : memref<32x79x128xi32, #tpu.memory_space<hbm>> -> memref<1x1x128xi32, #tpu.memory_space<hbm>>
    %dma_start3A_12 = tpu.memref_squeeze %dma_start3A_11 : memref<1x1x128xi32, #tpu.memory_space<hbm>> -> memref<128xi32, #tpu.memory_space<hbm>>
    %dma_start3A_13 = arith.constant 0 : i32
    %dma_start3A_14 = tpu.memref_slice %arg3[%add3A, %dma_start3A_9, %dma_start3A_13] : memref<32x79x128xi32, #tpu.memory_space<hbm>> -> memref<1x1x128xi32, #tpu.memory_space<hbm>>
    %dma_start3A_15 = tpu.memref_squeeze %dma_start3A_14 : memref<1x1x128xi32, #tpu.memory_space<hbm>> -> memref<128xi32, #tpu.memory_space<hbm>>
    tpu.enqueue_dma source(%dma_start3A_15 : memref<128xi32, #tpu.memory_space<hbm>>) target(%arg11 : memref<128xi32, #tpu.memory_space<vmem>>) target_semaphore(%arg20 : memref<!tpu.dma_semaphore, #tpu.memory_space<semaphore_mem>>)
    %dma_start3A_16 = arith.constant 1 : i32
    %dma_start3A_17 = arith.constant 0 : i32
    %dma_start3A_18 = tpu.memref_slice %arg4[%add3A, %dma_start3A_16, %dma_start3A_17] : memref<32x79x128xi32, #tpu.memory_space<hbm>> -> memref<1x1x128xi32, #tpu.memory_space<hbm>>
    %dma_start3A_19 = tpu.memref_squeeze %dma_start3A_18 : memref<1x1x128xi32, #tpu.memory_space<hbm>> -> memref<128xi32, #tpu.memory_space<hbm>>
    %dma_start3A_20 = arith.constant 0 : i32
    %dma_start3A_21 = tpu.memref_slice %arg4[%add3A, %dma_start3A_16, %dma_start3A_20] : memref<32x79x128xi32, #tpu.memory_space<hbm>> -> memref<1x1x128xi32, #tpu.memory_space<hbm>>
    %dma_start3A_22 = tpu.memref_squeeze %dma_start3A_21 : memref<1x1x128xi32, #tpu.memory_space<hbm>> -> memref<128xi32, #tpu.memory_space<hbm>>
    tpu.enqueue_dma source(%dma_start3A_22 : memref<128xi32, #tpu.memory_space<hbm>>) target(%arg9 : memref<128xi32, #tpu.memory_space<vmem>>) target_semaphore(%arg18 : memref<!tpu.dma_semaphore, #tpu.memory_space<semaphore_mem>>)
    %dma_start3A_23 = arith.constant 1 : i32
    %dma_start3A_24 = arith.constant 0 : i32
    %dma_start3A_25 = tpu.memref_slice %arg3[%add3A, %dma_start3A_23, %dma_start3A_24] : memref<32x79x128xi32, #tpu.memory_space<hbm>> -> memref<1x1x128xi32, #tpu.memory_space<hbm>>
    %dma_start3A_26 = tpu.memref_squeeze %dma_start3A_25 : memref<1x1x128xi32, #tpu.memory_space<hbm>> -> memref<128xi32, #tpu.memory_space<hbm>>
    %dma_start3A_27 = arith.constant 0 : i32
    %dma_start3A_28 = tpu.memref_slice %arg3[%add3A, %dma_start3A_23, %dma_start3A_27] : memref<32x79x128xi32, #tpu.memory_space<hbm>> -> memref<1x1x128xi32, #tpu.memory_space<hbm>>
    %dma_start3A_29 = tpu.memref_squeeze %dma_start3A_28 : memref<1x1x128xi32, #tpu.memory_space<hbm>> -> memref<128xi32, #tpu.memory_space<hbm>>
    tpu.enqueue_dma source(%dma_start3A_29 : memref<128xi32, #tpu.memory_space<hbm>>) target(%arg12 : memref<128xi32, #tpu.memory_space<vmem>>) target_semaphore(%arg21 : memref<!tpu.dma_semaphore, #tpu.memory_space<semaphore_mem>>)
    %dma_wait3A = arith.constant 0 : i32
    %dma_wait3A_30 = arith.constant 0 : i32
    %dma_wait3A_31 = tpu.memref_slice %arg4[%add3A, %dma_wait3A, %dma_wait3A_30] : memref<32x79x128xi32, #tpu.memory_space<hbm>> -> memref<1x1x128xi32, #tpu.memory_space<hbm>>
    %dma_wait3A_32 = tpu.memref_squeeze %dma_wait3A_31 : memref<1x1x128xi32, #tpu.memory_space<hbm>> -> memref<128xi32, #tpu.memory_space<hbm>>
    %dma_wait3A_33 = arith.constant 0 : i32
    %dma_wait3A_34 = tpu.memref_slice %arg4[%add3A, %dma_wait3A, %dma_wait3A_33] : memref<32x79x128xi32, #tpu.memory_space<hbm>> -> memref<1x1x128xi32, #tpu.memory_space<hbm>>
    %dma_wait3A_35 = tpu.memref_squeeze %dma_wait3A_34 : memref<1x1x128xi32, #tpu.memory_space<hbm>> -> memref<128xi32, #tpu.memory_space<hbm>>
    tpu.wait_dma2 semaphore(%arg17 : memref<!tpu.dma_semaphore, #tpu.memory_space<semaphore_mem>>) src(%dma_wait3A_35 : memref<128xi32, #tpu.memory_space<hbm>>) dst(%arg8 : memref<128xi32, #tpu.memory_space<vmem>>)
    %dma_start3A_36 = arith.constant 0 : i32
    %dma_start3A_37 = arith.constant 0 : i32
    %dma_start3A_38 = tpu.memref_slice %arg2[%dma_start3A_36, %dma_start3A_37] : memref<10000x128xf32, #tpu.memory_space<hbm>> -> memref<10000x128xf32, #tpu.memory_space<hbm>>
    tpu.enqueue_indirect_dma source(%dma_start3A_38 : memref<10000x128xf32, #tpu.memory_space<hbm>>) target(%arg14 : memref<128x128xf32, #tpu.memory_space<vmem>>) offsets(%arg8 : memref<128xi32, #tpu.memory_space<vmem>>) semaphore(%arg23 : memref<!tpu.dma_semaphore, #tpu.memory_space<semaphore_mem>>)
    %scan3A = arith.constant 0 : i32
    %scan3A_39 = arith.constant 0 : i32
    %scan3A_40 = arith.constant 27 : i32
    %scan3A_41 = arith.addi %scan3A_39, %scan3A_40 : i32
    %scan3A_42 = arith.constant 1 : i32
    scf.for %scan3A_55 = %scan3A_39 to %scan3A_41 step %scan3A_42  : i32 {
      %mul3A_56 = arith.constant 3 : i32
      %mul3A_57 = arith.muli %mul3A_56, %scan3A_55 : i32
      %lt3A = arith.constant 79 : i32
      %lt3A_58 = arith.cmpi slt, %mul3A_57, %lt3A : i32
      %convert_element_type3A = arith.extui %lt3A_58 : i1 to i32
      %cond3A = arith.constant 0 : i32
      %cond3A_59 = arith.cmpi ne, %convert_element_type3A, %cond3A : i32
      scf.if %cond3A_59 {
        %ge3A = arith.constant 2 : i32
        %ge3A_74 = arith.cmpi sge, %mul3A_57, %ge3A : i32
        %convert_element_type3A_75 = arith.extui %ge3A_74 : i1 to i32
        %cond3A_76 = arith.constant 0 : i32
        %cond3A_77 = arith.cmpi ne, %convert_element_type3A_75, %cond3A_76 : i32
        scf.if %cond3A_77 {
          %dma_wait3A_104 = arith.constant 0 : i32
          %dma_wait3A_105 = arith.constant 0 : i32
          %dma_wait3A_106 = tpu.memref_slice %arg7[%dma_wait3A_104, %dma_wait3A_105] : memref<10112x128xf32, #tpu.memory_space<vmem_shared>> -> memref<10112x128xf32, #tpu.memory_space<vmem_shared>>
          tpu.wait_indirect_dma semaphore(%arg27 : memref<!tpu.dma_semaphore, #tpu.memory_space<semaphore_mem>>) src(%arg15 : memref<128x128xf32, #tpu.memory_space<vmem>>) dst(%dma_wait3A_106 : memref<10112x128xf32, #tpu.memory_space<vmem_shared>>)
        } else {
        }
        %add3A_78 = arith.constant 1 : i32
        %add3A_79 = arith.addi %mul3A_57, %add3A_78 : i32
        %lt3A_80 = arith.constant 79 : i32
        %lt3A_81 = arith.cmpi slt, %add3A_79, %lt3A_80 : i32
        %convert_element_type3A_82 = arith.extui %lt3A_81 : i1 to i32
        %cond3A_83 = arith.constant 0 : i32
        %cond3A_84 = arith.cmpi ne, %convert_element_type3A_82, %cond3A_83 : i32
        scf.if %cond3A_84 {
          %add3A_104 = arith.constant 1 : i32
          %add3A_105 = arith.addi %mul3A_57, %add3A_104 : i32
          %dma_wait3A_106 = arith.constant 0 : i32
          %dma_wait3A_107 = tpu.memref_slice %arg4[%add3A, %add3A_105, %dma_wait3A_106] : memref<32x79x128xi32, #tpu.memory_space<hbm>> -> memref<1x1x128xi32, #tpu.memory_space<hbm>>
          %dma_wait3A_108 = tpu.memref_squeeze %dma_wait3A_107 : memref<1x1x128xi32, #tpu.memory_space<hbm>> -> memref<128xi32, #tpu.memory_space<hbm>>
          %dma_wait3A_109 = arith.constant 0 : i32
          %dma_wait3A_110 = tpu.memref_slice %arg4[%add3A, %add3A_105, %dma_wait3A_109] : memref<32x79x128xi32, #tpu.memory_space<hbm>> -> memref<1x1x128xi32, #tpu.memory_space<hbm>>
          %dma_wait3A_111 = tpu.memref_squeeze %dma_wait3A_110 : memref<1x1x128xi32, #tpu.memory_space<hbm>> -> memref<128xi32, #tpu.memory_space<hbm>>
          tpu.wait_dma2 semaphore(%arg18 : memref<!tpu.dma_semaphore, #tpu.memory_space<semaphore_mem>>) src(%dma_wait3A_111 : memref<128xi32, #tpu.memory_space<hbm>>) dst(%arg9 : memref<128xi32, #tpu.memory_space<vmem>>)
          %dma_start3A_112 = arith.constant 0 : i32
          %dma_start3A_113 = arith.constant 0 : i32
          %dma_start3A_114 = tpu.memref_slice %arg2[%dma_start3A_112, %dma_start3A_113] : memref<10000x128xf32, #tpu.memory_space<hbm>> -> memref<10000x128xf32, #tpu.memory_space<hbm>>
          tpu.enqueue_indirect_dma source(%dma_start3A_114 : memref<10000x128xf32, #tpu.memory_space<hbm>>) target(%arg15 : memref<128x128xf32, #tpu.memory_space<vmem>>) offsets(%arg9 : memref<128xi32, #tpu.memory_space<vmem>>) semaphore(%arg24 : memref<!tpu.dma_semaphore, #tpu.memory_space<semaphore_mem>>)
          %ge3A_115 = arith.constant 1 : i32
          %ge3A_116 = arith.cmpi sge, %mul3A_57, %ge3A_115 : i32
          %convert_element_type3A_117 = arith.extui %ge3A_116 : i1 to i32
          %cond3A_118 = arith.constant 0 : i32
          %cond3A_119 = arith.cmpi ne, %convert_element_type3A_117, %cond3A_118 : i32
          scf.if %cond3A_119 {
            %add3A_120 = arith.constant 1 : i32
            %add3A_121 = arith.addi %mul3A_57, %add3A_120 : i32
            %dma_start3A_122 = arith.constant 0 : i32
            %dma_start3A_123 = tpu.memref_slice %arg3[%add3A, %add3A_121, %dma_start3A_122] : memref<32x79x128xi32, #tpu.memory_space<hbm>> -> memref<1x1x128xi32, #tpu.memory_space<hbm>>
            %dma_start3A_124 = tpu.memref_squeeze %dma_start3A_123 : memref<1x1x128xi32, #tpu.memory_space<hbm>> -> memref<128xi32, #tpu.memory_space<hbm>>
            %dma_start3A_125 = arith.constant 0 : i32
            %dma_start3A_126 = tpu.memref_slice %arg3[%add3A, %add3A_121, %dma_start3A_125] : memref<32x79x128xi32, #tpu.memory_space<hbm>> -> memref<1x1x128xi32, #tpu.memory_space<hbm>>
            %dma_start3A_127 = tpu.memref_squeeze %dma_start3A_126 : memref<1x1x128xi32, #tpu.memory_space<hbm>> -> memref<128xi32, #tpu.memory_space<hbm>>
            tpu.enqueue_dma source(%dma_start3A_127 : memref<128xi32, #tpu.memory_space<hbm>>) target(%arg12 : memref<128xi32, #tpu.memory_space<vmem>>) target_semaphore(%arg21 : memref<!tpu.dma_semaphore, #tpu.memory_space<semaphore_mem>>)
          } else {
          }
        } else {
        }
        %add3A_85 = arith.constant 2 : i32
        %add3A_86 = arith.addi %mul3A_57, %add3A_85 : i32
        %lt3A_87 = arith.constant 79 : i32
        %lt3A_88 = arith.cmpi slt, %add3A_86, %lt3A_87 : i32
        %convert_element_type3A_89 = arith.extui %lt3A_88 : i1 to i32
        %cond3A_90 = arith.constant 0 : i32
        %cond3A_91 = arith.cmpi ne, %convert_element_type3A_89, %cond3A_90 : i32
        scf.if %cond3A_91 {
          %add3A_104 = arith.constant 2 : i32
          %add3A_105 = arith.addi %mul3A_57, %add3A_104 : i32
          %dma_start3A_106 = arith.constant 0 : i32
          %dma_start3A_107 = tpu.memref_slice %arg4[%add3A, %add3A_105, %dma_start3A_106] : memref<32x79x128xi32, #tpu.memory_space<hbm>> -> memref<1x1x128xi32, #tpu.memory_space<hbm>>
          %dma_start3A_108 = tpu.memref_squeeze %dma_start3A_107 : memref<1x1x128xi32, #tpu.memory_space<hbm>> -> memref<128xi32, #tpu.memory_space<hbm>>
          %dma_start3A_109 = arith.constant 0 : i32
          %dma_start3A_110 = tpu.memref_slice %arg4[%add3A, %add3A_105, %dma_start3A_109] : memref<32x79x128xi32, #tpu.memory_space<hbm>> -> memref<1x1x128xi32, #tpu.memory_space<hbm>>
          %dma_start3A_111 = tpu.memref_squeeze %dma_start3A_110 : memref<1x1x128xi32, #tpu.memory_space<hbm>> -> memref<128xi32, #tpu.memory_space<hbm>>
          tpu.enqueue_dma source(%dma_start3A_111 : memref<128xi32, #tpu.memory_space<hbm>>) target(%arg10 : memref<128xi32, #tpu.memory_space<vmem>>) target_semaphore(%arg19 : memref<!tpu.dma_semaphore, #tpu.memory_space<semaphore_mem>>)
        } else {
        }
        %dma_wait3A_92 = arith.constant 0 : i32
        %dma_wait3A_93 = arith.constant 0 : i32
        %dma_wait3A_94 = tpu.memref_slice %arg2[%dma_wait3A_92, %dma_wait3A_93] : memref<10000x128xf32, #tpu.memory_space<hbm>> -> memref<10000x128xf32, #tpu.memory_space<hbm>>
        tpu.wait_indirect_dma semaphore(%arg23 : memref<!tpu.dma_semaphore, #tpu.memory_space<semaphore_mem>>) src(%dma_wait3A_94 : memref<10000x128xf32, #tpu.memory_space<hbm>>) dst(%arg14 : memref<128x128xf32, #tpu.memory_space<vmem>>)
        %dma_wait3A_95 = arith.constant 0 : i32
        %dma_wait3A_96 = tpu.memref_slice %arg3[%add3A, %mul3A_57, %dma_wait3A_95] : memref<32x79x128xi32, #tpu.memory_space<hbm>> -> memref<1x1x128xi32, #tpu.memory_space<hbm>>
        %dma_wait3A_97 = tpu.memref_squeeze %dma_wait3A_96 : memref<1x1x128xi32, #tpu.memory_space<hbm>> -> memref<128xi32, #tpu.memory_space<hbm>>
        %dma_wait3A_98 = arith.constant 0 : i32
        %dma_wait3A_99 = tpu.memref_slice %arg3[%add3A, %mul3A_57, %dma_wait3A_98] : memref<32x79x128xi32, #tpu.memory_space<hbm>> -> memref<1x1x128xi32, #tpu.memory_space<hbm>>
        %dma_wait3A_100 = tpu.memref_squeeze %dma_wait3A_99 : memref<1x1x128xi32, #tpu.memory_space<hbm>> -> memref<128xi32, #tpu.memory_space<hbm>>
        tpu.wait_dma2 semaphore(%arg20 : memref<!tpu.dma_semaphore, #tpu.memory_space<semaphore_mem>>) src(%dma_wait3A_100 : memref<128xi32, #tpu.memory_space<hbm>>) dst(%arg11 : memref<128xi32, #tpu.memory_space<vmem>>)
        %dma_start3A_101 = arith.constant 0 : i32
        %dma_start3A_102 = arith.constant 0 : i32
        %dma_start3A_103 = tpu.memref_slice %arg7[%dma_start3A_101, %dma_start3A_102] : memref<10112x128xf32, #tpu.memory_space<vmem_shared>> -> memref<10112x128xf32, #tpu.memory_space<vmem_shared>>
        tpu.enqueue_indirect_dma source(%arg14 : memref<128x128xf32, #tpu.memory_space<vmem>>) target(%dma_start3A_103 : memref<10112x128xf32, #tpu.memory_space<vmem_shared>>) offsets(%arg11 : memref<128xi32, #tpu.memory_space<vmem>>) semaphore(%arg26 : memref<!tpu.dma_semaphore, #tpu.memory_space<semaphore_mem>>) {add = true}
      } else {
      }
      %add3A_60 = arith.constant 1 : i32
      %add3A_61 = arith.addi %mul3A_57, %add3A_60 : i32
      %lt3A_62 = arith.constant 79 : i32
      %lt3A_63 = arith.cmpi slt, %add3A_61, %lt3A_62 : i32
      %convert_element_type3A_64 = arith.extui %lt3A_63 : i1 to i32
      %cond3A_65 = arith.constant 0 : i32
      %cond3A_66 = arith.cmpi ne, %convert_element_type3A_64, %cond3A_65 : i32
      scf.if %cond3A_66 {
        %ge3A = arith.constant 2 : i32
        %ge3A_74 = arith.cmpi sge, %add3A_61, %ge3A : i32
        %convert_element_type3A_75 = arith.extui %ge3A_74 : i1 to i32
        %cond3A_76 = arith.constant 0 : i32
        %cond3A_77 = arith.cmpi ne, %convert_element_type3A_75, %cond3A_76 : i32
        scf.if %cond3A_77 {
          %dma_wait3A_104 = arith.constant 0 : i32
          %dma_wait3A_105 = arith.constant 0 : i32
          %dma_wait3A_106 = tpu.memref_slice %arg7[%dma_wait3A_104, %dma_wait3A_105] : memref<10112x128xf32, #tpu.memory_space<vmem_shared>> -> memref<10112x128xf32, #tpu.memory_space<vmem_shared>>
          tpu.wait_indirect_dma semaphore(%arg28 : memref<!tpu.dma_semaphore, #tpu.memory_space<semaphore_mem>>) src(%arg16 : memref<128x128xf32, #tpu.memory_space<vmem>>) dst(%dma_wait3A_106 : memref<10112x128xf32, #tpu.memory_space<vmem_shared>>)
        } else {
        }
        %add3A_78 = arith.constant 1 : i32
        %add3A_79 = arith.addi %add3A_61, %add3A_78 : i32
        %lt3A_80 = arith.constant 79 : i32
        %lt3A_81 = arith.cmpi slt, %add3A_79, %lt3A_80 : i32
        %convert_element_type3A_82 = arith.extui %lt3A_81 : i1 to i32
        %cond3A_83 = arith.constant 0 : i32
        %cond3A_84 = arith.cmpi ne, %convert_element_type3A_82, %cond3A_83 : i32
        scf.if %cond3A_84 {
          %add3A_104 = arith.constant 1 : i32
          %add3A_105 = arith.addi %add3A_61, %add3A_104 : i32
          %dma_wait3A_106 = arith.constant 0 : i32
          %dma_wait3A_107 = tpu.memref_slice %arg4[%add3A, %add3A_105, %dma_wait3A_106] : memref<32x79x128xi32, #tpu.memory_space<hbm>> -> memref<1x1x128xi32, #tpu.memory_space<hbm>>
          %dma_wait3A_108 = tpu.memref_squeeze %dma_wait3A_107 : memref<1x1x128xi32, #tpu.memory_space<hbm>> -> memref<128xi32, #tpu.memory_space<hbm>>
          %dma_wait3A_109 = arith.constant 0 : i32
          %dma_wait3A_110 = tpu.memref_slice %arg4[%add3A, %add3A_105, %dma_wait3A_109] : memref<32x79x128xi32, #tpu.memory_space<hbm>> -> memref<1x1x128xi32, #tpu.memory_space<hbm>>
          %dma_wait3A_111 = tpu.memref_squeeze %dma_wait3A_110 : memref<1x1x128xi32, #tpu.memory_space<hbm>> -> memref<128xi32, #tpu.memory_space<hbm>>
          tpu.wait_dma2 semaphore(%arg19 : memref<!tpu.dma_semaphore, #tpu.memory_space<semaphore_mem>>) src(%dma_wait3A_111 : memref<128xi32, #tpu.memory_space<hbm>>) dst(%arg10 : memref<128xi32, #tpu.memory_space<vmem>>)
          %dma_start3A_112 = arith.constant 0 : i32
          %dma_start3A_113 = arith.constant 0 : i32
          %dma_start3A_114 = tpu.memref_slice %arg2[%dma_start3A_112, %dma_start3A_113] : memref<10000x128xf32, #tpu.memory_space<hbm>> -> memref<10000x128xf32, #tpu.memory_space<hbm>>
          tpu.enqueue_indirect_dma source(%dma_start3A_114 : memref<10000x128xf32, #tpu.memory_space<hbm>>) target(%arg16 : memref<128x128xf32, #tpu.memory_space<vmem>>) offsets(%arg10 : memref<128xi32, #tpu.memory_space<vmem>>) semaphore(%arg25 : memref<!tpu.dma_semaphore, #tpu.memory_space<semaphore_mem>>)
          %ge3A_115 = arith.constant 1 : i32
          %ge3A_116 = arith.cmpi sge, %add3A_61, %ge3A_115 : i32
          %convert_element_type3A_117 = arith.extui %ge3A_116 : i1 to i32
          %cond3A_118 = arith.constant 0 : i32
          %cond3A_119 = arith.cmpi ne, %convert_element_type3A_117, %cond3A_118 : i32
          scf.if %cond3A_119 {
            %add3A_120 = arith.constant 1 : i32
            %add3A_121 = arith.addi %add3A_61, %add3A_120 : i32
            %dma_start3A_122 = arith.constant 0 : i32
            %dma_start3A_123 = tpu.memref_slice %arg3[%add3A, %add3A_121, %dma_start3A_122] : memref<32x79x128xi32, #tpu.memory_space<hbm>> -> memref<1x1x128xi32, #tpu.memory_space<hbm>>
            %dma_start3A_124 = tpu.memref_squeeze %dma_start3A_123 : memref<1x1x128xi32, #tpu.memory_space<hbm>> -> memref<128xi32, #tpu.memory_space<hbm>>
            %dma_start3A_125 = arith.constant 0 : i32
            %dma_start3A_126 = tpu.memref_slice %arg3[%add3A, %add3A_121, %dma_start3A_125] : memref<32x79x128xi32, #tpu.memory_space<hbm>> -> memref<1x1x128xi32, #tpu.memory_space<hbm>>
            %dma_start3A_127 = tpu.memref_squeeze %dma_start3A_126 : memref<1x1x128xi32, #tpu.memory_space<hbm>> -> memref<128xi32, #tpu.memory_space<hbm>>
            tpu.enqueue_dma source(%dma_start3A_127 : memref<128xi32, #tpu.memory_space<hbm>>) target(%arg13 : memref<128xi32, #tpu.memory_space<vmem>>) target_semaphore(%arg22 : memref<!tpu.dma_semaphore, #tpu.memory_space<semaphore_mem>>)
          } else {
          }
        } else {
        }
        %add3A_85 = arith.constant 2 : i32
        %add3A_86 = arith.addi %add3A_61, %add3A_85 : i32
        %lt3A_87 = arith.constant 79 : i32
        %lt3A_88 = arith.cmpi slt, %add3A_86, %lt3A_87 : i32
        %convert_element_type3A_89 = arith.extui %lt3A_88 : i1 to i32
        %cond3A_90 = arith.constant 0 : i32
        %cond3A_91 = arith.cmpi ne, %convert_element_type3A_89, %cond3A_90 : i32
        scf.if %cond3A_91 {
          %add3A_104 = arith.constant 2 : i32
          %add3A_105 = arith.addi %add3A_61, %add3A_104 : i32
          %dma_start3A_106 = arith.constant 0 : i32
          %dma_start3A_107 = tpu.memref_slice %arg4[%add3A, %add3A_105, %dma_start3A_106] : memref<32x79x128xi32, #tpu.memory_space<hbm>> -> memref<1x1x128xi32, #tpu.memory_space<hbm>>
          %dma_start3A_108 = tpu.memref_squeeze %dma_start3A_107 : memref<1x1x128xi32, #tpu.memory_space<hbm>> -> memref<128xi32, #tpu.memory_space<hbm>>
          %dma_start3A_109 = arith.constant 0 : i32
          %dma_start3A_110 = tpu.memref_slice %arg4[%add3A, %add3A_105, %dma_start3A_109] : memref<32x79x128xi32, #tpu.memory_space<hbm>> -> memref<1x1x128xi32, #tpu.memory_space<hbm>>
          %dma_start3A_111 = tpu.memref_squeeze %dma_start3A_110 : memref<1x1x128xi32, #tpu.memory_space<hbm>> -> memref<128xi32, #tpu.memory_space<hbm>>
          tpu.enqueue_dma source(%dma_start3A_111 : memref<128xi32, #tpu.memory_space<hbm>>) target(%arg8 : memref<128xi32, #tpu.memory_space<vmem>>) target_semaphore(%arg17 : memref<!tpu.dma_semaphore, #tpu.memory_space<semaphore_mem>>)
        } else {
        }
        %dma_wait3A_92 = arith.constant 0 : i32
        %dma_wait3A_93 = arith.constant 0 : i32
        %dma_wait3A_94 = tpu.memref_slice %arg2[%dma_wait3A_92, %dma_wait3A_93] : memref<10000x128xf32, #tpu.memory_space<hbm>> -> memref<10000x128xf32, #tpu.memory_space<hbm>>
        tpu.wait_indirect_dma semaphore(%arg24 : memref<!tpu.dma_semaphore, #tpu.memory_space<semaphore_mem>>) src(%dma_wait3A_94 : memref<10000x128xf32, #tpu.memory_space<hbm>>) dst(%arg15 : memref<128x128xf32, #tpu.memory_space<vmem>>)
        %dma_wait3A_95 = arith.constant 0 : i32
        %dma_wait3A_96 = tpu.memref_slice %arg3[%add3A, %add3A_61, %dma_wait3A_95] : memref<32x79x128xi32, #tpu.memory_space<hbm>> -> memref<1x1x128xi32, #tpu.memory_space<hbm>>
        %dma_wait3A_97 = tpu.memref_squeeze %dma_wait3A_96 : memref<1x1x128xi32, #tpu.memory_space<hbm>> -> memref<128xi32, #tpu.memory_space<hbm>>
        %dma_wait3A_98 = arith.constant 0 : i32
        %dma_wait3A_99 = tpu.memref_slice %arg3[%add3A, %add3A_61, %dma_wait3A_98] : memref<32x79x128xi32, #tpu.memory_space<hbm>> -> memref<1x1x128xi32, #tpu.memory_space<hbm>>
        %dma_wait3A_100 = tpu.memref_squeeze %dma_wait3A_99 : memref<1x1x128xi32, #tpu.memory_space<hbm>> -> memref<128xi32, #tpu.memory_space<hbm>>
        tpu.wait_dma2 semaphore(%arg21 : memref<!tpu.dma_semaphore, #tpu.memory_space<semaphore_mem>>) src(%dma_wait3A_100 : memref<128xi32, #tpu.memory_space<hbm>>) dst(%arg12 : memref<128xi32, #tpu.memory_space<vmem>>)
        %dma_start3A_101 = arith.constant 0 : i32
        %dma_start3A_102 = arith.constant 0 : i32
        %dma_start3A_103 = tpu.memref_slice %arg7[%dma_start3A_101, %dma_start3A_102] : memref<10112x128xf32, #tpu.memory_space<vmem_shared>> -> memref<10112x128xf32, #tpu.memory_space<vmem_shared>>
        tpu.enqueue_indirect_dma source(%arg15 : memref<128x128xf32, #tpu.memory_space<vmem>>) target(%dma_start3A_103 : memref<10112x128xf32, #tpu.memory_space<vmem_shared>>) offsets(%arg12 : memref<128xi32, #tpu.memory_space<vmem>>) semaphore(%arg27 : memref<!tpu.dma_semaphore, #tpu.memory_space<semaphore_mem>>) {add = true}
      } else {
      }
      %add3A_67 = arith.constant 2 : i32
      %add3A_68 = arith.addi %mul3A_57, %add3A_67 : i32
      %lt3A_69 = arith.constant 79 : i32
      %lt3A_70 = arith.cmpi slt, %add3A_68, %lt3A_69 : i32
      %convert_element_type3A_71 = arith.extui %lt3A_70 : i1 to i32
      %cond3A_72 = arith.constant 0 : i32
      %cond3A_73 = arith.cmpi ne, %convert_element_type3A_71, %cond3A_72 : i32
      scf.if %cond3A_73 {
        %ge3A = arith.constant 2 : i32
        %ge3A_74 = arith.cmpi sge, %add3A_68, %ge3A : i32
        %convert_element_type3A_75 = arith.extui %ge3A_74 : i1 to i32
        %cond3A_76 = arith.constant 0 : i32
        %cond3A_77 = arith.cmpi ne, %convert_element_type3A_75, %cond3A_76 : i32
        scf.if %cond3A_77 {
          %dma_wait3A_104 = arith.constant 0 : i32
          %dma_wait3A_105 = arith.constant 0 : i32
          %dma_wait3A_106 = tpu.memref_slice %arg7[%dma_wait3A_104, %dma_wait3A_105] : memref<10112x128xf32, #tpu.memory_space<vmem_shared>> -> memref<10112x128xf32, #tpu.memory_space<vmem_shared>>
          tpu.wait_indirect_dma semaphore(%arg26 : memref<!tpu.dma_semaphore, #tpu.memory_space<semaphore_mem>>) src(%arg14 : memref<128x128xf32, #tpu.memory_space<vmem>>) dst(%dma_wait3A_106 : memref<10112x128xf32, #tpu.memory_space<vmem_shared>>)
        } else {
        }
        %add3A_78 = arith.constant 1 : i32
        %add3A_79 = arith.addi %add3A_68, %add3A_78 : i32
        %lt3A_80 = arith.constant 79 : i32
        %lt3A_81 = arith.cmpi slt, %add3A_79, %lt3A_80 : i32
        %convert_element_type3A_82 = arith.extui %lt3A_81 : i1 to i32
        %cond3A_83 = arith.constant 0 : i32
        %cond3A_84 = arith.cmpi ne, %convert_element_type3A_82, %cond3A_83 : i32
        scf.if %cond3A_84 {
          %add3A_104 = arith.constant 1 : i32
          %add3A_105 = arith.addi %add3A_68, %add3A_104 : i32
          %dma_wait3A_106 = arith.constant 0 : i32
          %dma_wait3A_107 = tpu.memref_slice %arg4[%add3A, %add3A_105, %dma_wait3A_106] : memref<32x79x128xi32, #tpu.memory_space<hbm>> -> memref<1x1x128xi32, #tpu.memory_space<hbm>>
          %dma_wait3A_108 = tpu.memref_squeeze %dma_wait3A_107 : memref<1x1x128xi32, #tpu.memory_space<hbm>> -> memref<128xi32, #tpu.memory_space<hbm>>
          %dma_wait3A_109 = arith.constant 0 : i32
          %dma_wait3A_110 = tpu.memref_slice %arg4[%add3A, %add3A_105, %dma_wait3A_109] : memref<32x79x128xi32, #tpu.memory_space<hbm>> -> memref<1x1x128xi32, #tpu.memory_space<hbm>>
          %dma_wait3A_111 = tpu.memref_squeeze %dma_wait3A_110 : memref<1x1x128xi32, #tpu.memory_space<hbm>> -> memref<128xi32, #tpu.memory_space<hbm>>
          tpu.wait_dma2 semaphore(%arg17 : memref<!tpu.dma_semaphore, #tpu.memory_space<semaphore_mem>>) src(%dma_wait3A_111 : memref<128xi32, #tpu.memory_space<hbm>>) dst(%arg8 : memref<128xi32, #tpu.memory_space<vmem>>)
          %dma_start3A_112 = arith.constant 0 : i32
          %dma_start3A_113 = arith.constant 0 : i32
          %dma_start3A_114 = tpu.memref_slice %arg2[%dma_start3A_112, %dma_start3A_113] : memref<10000x128xf32, #tpu.memory_space<hbm>> -> memref<10000x128xf32, #tpu.memory_space<hbm>>
          tpu.enqueue_indirect_dma source(%dma_start3A_114 : memref<10000x128xf32, #tpu.memory_space<hbm>>) target(%arg14 : memref<128x128xf32, #tpu.memory_space<vmem>>) offsets(%arg8 : memref<128xi32, #tpu.memory_space<vmem>>) semaphore(%arg23 : memref<!tpu.dma_semaphore, #tpu.memory_space<semaphore_mem>>)
          %ge3A_115 = arith.constant 1 : i32
          %ge3A_116 = arith.cmpi sge, %add3A_68, %ge3A_115 : i32
          %convert_element_type3A_117 = arith.extui %ge3A_116 : i1 to i32
          %cond3A_118 = arith.constant 0 : i32
          %cond3A_119 = arith.cmpi ne, %convert_element_type3A_117, %cond3A_118 : i32
          scf.if %cond3A_119 {
            %add3A_120 = arith.constant 1 : i32
            %add3A_121 = arith.addi %add3A_68, %add3A_120 : i32
            %dma_start3A_122 = arith.constant 0 : i32
            %dma_start3A_123 = tpu.memref_slice %arg3[%add3A, %add3A_121, %dma_start3A_122] : memref<32x79x128xi32, #tpu.memory_space<hbm>> -> memref<1x1x128xi32, #tpu.memory_space<hbm>>
            %dma_start3A_124 = tpu.memref_squeeze %dma_start3A_123 : memref<1x1x128xi32, #tpu.memory_space<hbm>> -> memref<128xi32, #tpu.memory_space<hbm>>
            %dma_start3A_125 = arith.constant 0 : i32
            %dma_start3A_126 = tpu.memref_slice %arg3[%add3A, %add3A_121, %dma_start3A_125] : memref<32x79x128xi32, #tpu.memory_space<hbm>> -> memref<1x1x128xi32, #tpu.memory_space<hbm>>
            %dma_start3A_127 = tpu.memref_squeeze %dma_start3A_126 : memref<1x1x128xi32, #tpu.memory_space<hbm>> -> memref<128xi32, #tpu.memory_space<hbm>>
            tpu.enqueue_dma source(%dma_start3A_127 : memref<128xi32, #tpu.memory_space<hbm>>) target(%arg11 : memref<128xi32, #tpu.memory_space<vmem>>) target_semaphore(%arg20 : memref<!tpu.dma_semaphore, #tpu.memory_space<semaphore_mem>>)
          } else {
          }
        } else {
        }
        %add3A_85 = arith.constant 2 : i32
        %add3A_86 = arith.addi %add3A_68, %add3A_85 : i32
        %lt3A_87 = arith.constant 79 : i32
        %lt3A_88 = arith.cmpi slt, %add3A_86, %lt3A_87 : i32
        %convert_element_type3A_89 = arith.extui %lt3A_88 : i1 to i32
        %cond3A_90 = arith.constant 0 : i32
        %cond3A_91 = arith.cmpi ne, %convert_element_type3A_89, %cond3A_90 : i32
        scf.if %cond3A_91 {
          %add3A_104 = arith.constant 2 : i32
          %add3A_105 = arith.addi %add3A_68, %add3A_104 : i32
          %dma_start3A_106 = arith.constant 0 : i32
          %dma_start3A_107 = tpu.memref_slice %arg4[%add3A, %add3A_105, %dma_start3A_106] : memref<32x79x128xi32, #tpu.memory_space<hbm>> -> memref<1x1x128xi32, #tpu.memory_space<hbm>>
          %dma_start3A_108 = tpu.memref_squeeze %dma_start3A_107 : memref<1x1x128xi32, #tpu.memory_space<hbm>> -> memref<128xi32, #tpu.memory_space<hbm>>
          %dma_start3A_109 = arith.constant 0 : i32
          %dma_start3A_110 = tpu.memref_slice %arg4[%add3A, %add3A_105, %dma_start3A_109] : memref<32x79x128xi32, #tpu.memory_space<hbm>> -> memref<1x1x128xi32, #tpu.memory_space<hbm>>
          %dma_start3A_111 = tpu.memref_squeeze %dma_start3A_110 : memref<1x1x128xi32, #tpu.memory_space<hbm>> -> memref<128xi32, #tpu.memory_space<hbm>>
          tpu.enqueue_dma source(%dma_start3A_111 : memref<128xi32, #tpu.memory_space<hbm>>) target(%arg9 : memref<128xi32, #tpu.memory_space<vmem>>) target_semaphore(%arg18 : memref<!tpu.dma_semaphore, #tpu.memory_space<semaphore_mem>>)
        } else {
        }
        %dma_wait3A_92 = arith.constant 0 : i32
        %dma_wait3A_93 = arith.constant 0 : i32
        %dma_wait3A_94 = tpu.memref_slice %arg2[%dma_wait3A_92, %dma_wait3A_93] : memref<10000x128xf32, #tpu.memory_space<hbm>> -> memref<10000x128xf32, #tpu.memory_space<hbm>>
        tpu.wait_indirect_dma semaphore(%arg25 : memref<!tpu.dma_semaphore, #tpu.memory_space<semaphore_mem>>) src(%dma_wait3A_94 : memref<10000x128xf32, #tpu.memory_space<hbm>>) dst(%arg16 : memref<128x128xf32, #tpu.memory_space<vmem>>)
        %dma_wait3A_95 = arith.constant 0 : i32
        %dma_wait3A_96 = tpu.memref_slice %arg3[%add3A, %add3A_68, %dma_wait3A_95] : memref<32x79x128xi32, #tpu.memory_space<hbm>> -> memref<1x1x128xi32, #tpu.memory_space<hbm>>
        %dma_wait3A_97 = tpu.memref_squeeze %dma_wait3A_96 : memref<1x1x128xi32, #tpu.memory_space<hbm>> -> memref<128xi32, #tpu.memory_space<hbm>>
        %dma_wait3A_98 = arith.constant 0 : i32
        %dma_wait3A_99 = tpu.memref_slice %arg3[%add3A, %add3A_68, %dma_wait3A_98] : memref<32x79x128xi32, #tpu.memory_space<hbm>> -> memref<1x1x128xi32, #tpu.memory_space<hbm>>
        %dma_wait3A_100 = tpu.memref_squeeze %dma_wait3A_99 : memref<1x1x128xi32, #tpu.memory_space<hbm>> -> memref<128xi32, #tpu.memory_space<hbm>>
        tpu.wait_dma2 semaphore(%arg22 : memref<!tpu.dma_semaphore, #tpu.memory_space<semaphore_mem>>) src(%dma_wait3A_100 : memref<128xi32, #tpu.memory_space<hbm>>) dst(%arg13 : memref<128xi32, #tpu.memory_space<vmem>>)
        %dma_start3A_101 = arith.constant 0 : i32
        %dma_start3A_102 = arith.constant 0 : i32
        %dma_start3A_103 = tpu.memref_slice %arg7[%dma_start3A_101, %dma_start3A_102] : memref<10112x128xf32, #tpu.memory_space<vmem_shared>> -> memref<10112x128xf32, #tpu.memory_space<vmem_shared>>
        tpu.enqueue_indirect_dma source(%arg16 : memref<128x128xf32, #tpu.memory_space<vmem>>) target(%dma_start3A_103 : memref<10112x128xf32, #tpu.memory_space<vmem_shared>>) offsets(%arg13 : memref<128xi32, #tpu.memory_space<vmem>>) semaphore(%arg28 : memref<!tpu.dma_semaphore, #tpu.memory_space<semaphore_mem>>) {add = true}
      } else {
      }
    }
    %scan3A_43 = arith.constant 27 : i32
    %dma_wait3A_44 = arith.constant 0 : i32
    %dma_wait3A_45 = arith.constant 0 : i32
    %dma_wait3A_46 = tpu.memref_slice %arg7[%dma_wait3A_44, %dma_wait3A_45] : memref<10112x128xf32, #tpu.memory_space<vmem_shared>> -> memref<10112x128xf32, #tpu.memory_space<vmem_shared>>
    tpu.wait_indirect_dma semaphore(%arg28 : memref<!tpu.dma_semaphore, #tpu.memory_space<semaphore_mem>>) src(%arg16 : memref<128x128xf32, #tpu.memory_space<vmem>>) dst(%dma_wait3A_46 : memref<10112x128xf32, #tpu.memory_space<vmem_shared>>)
    %dma_wait3A_47 = arith.constant 0 : i32
    %dma_wait3A_48 = arith.constant 0 : i32
    %dma_wait3A_49 = tpu.memref_slice %arg7[%dma_wait3A_47, %dma_wait3A_48] : memref<10112x128xf32, #tpu.memory_space<vmem_shared>> -> memref<10112x128xf32, #tpu.memory_space<vmem_shared>>
    tpu.wait_indirect_dma semaphore(%arg26 : memref<!tpu.dma_semaphore, #tpu.memory_space<semaphore_mem>>) src(%arg14 : memref<128x128xf32, #tpu.memory_space<vmem>>) dst(%dma_wait3A_49 : memref<10112x128xf32, #tpu.memory_space<vmem_shared>>)
    %barrier3A_50 = arith.constant 0 : index
    tpu.barrier barrier_id(%barrier3A_50)
    %mul3A_51 = arith.constant 632 : i32
    %mul3A_52 = arith.muli %arg1, %mul3A_51 : i32
    %mul3A_53 = arith.constant 632 : i32
    %mul3A_54 = arith.muli %arg1, %mul3A_53 : i32
    "tpu.region"() ({
      %run_scoped3A = tpu.sem_alloc : memref<!tpu.dma_semaphore, #tpu.memory_space<semaphore_mem>>
      %dma_start3A_55 = arith.constant 0 : i32
      %dma_start3A_56 = tpu.memref_slice %arg6[%arg0, %mul3A_54, %dma_start3A_55] : memref<2x10112x128xf32, #tpu.memory_space<hbm>> -> memref<1x632x128xf32, #tpu.memory_space<hbm>>
      %dma_start3A_57 = tpu.memref_squeeze %dma_start3A_56 : memref<1x632x128xf32, #tpu.memory_space<hbm>> -> memref<632x128xf32, #tpu.memory_space<hbm>>
      %dma_start3A_58 = arith.constant 0 : i32
      %dma_start3A_59 = tpu.memref_slice %arg7[%mul3A_52, %dma_start3A_58] : memref<10112x128xf32, #tpu.memory_space<vmem_shared>> -> memref<632x128xf32, #tpu.memory_space<vmem_shared>>
      tpu.enqueue_dma source(%dma_start3A_59 : memref<632x128xf32, #tpu.memory_space<vmem_shared>>) target(%dma_start3A_57 : memref<632x128xf32, #tpu.memory_space<hbm>>) target_semaphore(%run_scoped3A : memref<!tpu.dma_semaphore, #tpu.memory_space<semaphore_mem>>)
      %dma_wait3A_60 = arith.constant 0 : i32
      %dma_wait3A_61 = tpu.memref_slice %arg6[%arg0, %mul3A_54, %dma_wait3A_60] : memref<2x10112x128xf32, #tpu.memory_space<hbm>> -> memref<1x632x128xf32, #tpu.memory_space<hbm>>
      %dma_wait3A_62 = tpu.memref_squeeze %dma_wait3A_61 : memref<1x632x128xf32, #tpu.memory_space<hbm>> -> memref<632x128xf32, #tpu.memory_space<hbm>>
      %dma_wait3A_63 = arith.constant 0 : i32
      %dma_wait3A_64 = tpu.memref_slice %arg7[%mul3A_52, %dma_wait3A_63] : memref<10112x128xf32, #tpu.memory_space<vmem_shared>> -> memref<632x128xf32, #tpu.memory_space<vmem_shared>>
      tpu.wait_dma2 semaphore(%run_scoped3A : memref<!tpu.dma_semaphore, #tpu.memory_space<semaphore_mem>>) src(%dma_wait3A_64 : memref<632x128xf32, #tpu.memory_space<vmem_shared>>) dst(%dma_wait3A_62 : memref<632x128xf32, #tpu.memory_space<hbm>>)
      tpu.yield
    }) : () -> ()
    return
  }
}

module attributes {stable_mosaic.version = 14 : i64} {
  func.func @_out_body(%arg0: i32, %arg1: memref<2x2000x128xf32, #tpu.memory_space<vmem>>, %arg2: memref<2000x1xf32, #tpu.memory_space<vmem>>, %arg3: memref<128x128xf32, #tpu.memory_space<vmem>>, %arg4: memref<2000x128xf32, #tpu.memory_space<vmem>>) attributes {dimension_semantics = [#tpu.dimension_semantics<arbitrary>], iteration_bounds = array<i64: 5>, scalar_prefetch = 0 : i64, scratch_operands = 0 : i64, tpu.core_type = #tpu.core_type<tc>, window_params = [{transform_indices = @transform_0, window_bounds = array<i64: 2, 2000, 128>}, {transform_indices = @transform_1, window_bounds = array<i64: 2000, 1>}, {pipeline_mode = #tpu.pipeline_mode<synchronous>, transform_indices = @transform_2, window_bounds = array<i64: 128, 128>}, {transform_indices = @transform_3, window_bounds = array<i64: 2000, 128>}]} {
    %get3A = arith.constant 0 : index
    %get3A_0 = arith.constant 0 : index
    %get3A_1 = arith.constant 0 : index
    %get3A_2 = vector.load %arg1[%get3A, %get3A_0, %get3A_1] : memref<2x2000x128xf32, #tpu.memory_space<vmem>>, vector<1x2000x128xf32>
    %get3A_3 = vector.shape_cast %get3A_2 : vector<1x2000x128xf32> to vector<2000x128xf32>
    %get3A_4 = arith.constant 1 : index
    %get3A_5 = arith.constant 0 : index
    %get3A_6 = arith.constant 0 : index
    %get3A_7 = vector.load %arg1[%get3A_4, %get3A_5, %get3A_6] : memref<2x2000x128xf32, #tpu.memory_space<vmem>>, vector<1x2000x128xf32>
    %get3A_8 = vector.shape_cast %get3A_7 : vector<1x2000x128xf32> to vector<2000x128xf32>
    %add3A = arith.addf %get3A_3, %get3A_8 : vector<2000x128xf32>
    %get3A_9 = arith.constant 0 : index
    %get3A_10 = arith.constant 0 : index
    %get3A_11 = vector.load %arg2[%get3A_9, %get3A_10] : memref<2000x1xf32, #tpu.memory_space<vmem>>, vector<2000x1xf32>
    %mul3A = vector.broadcast %get3A_11 : vector<2000x1xf32> to vector<2000x128xf32>
    %mul3A_12 = arith.mulf %add3A, %mul3A : vector<2000x128xf32>
    %get3A_13 = arith.constant 0 : index
    %get3A_14 = arith.constant 0 : index
    %get3A_15 = vector.load %arg3[%get3A_13, %get3A_14] : memref<128x128xf32, #tpu.memory_space<vmem>>, vector<128x128xf32>
    %dot_general3A = arith.constant dense<0.000000e+00> : vector<2000x128xf32>
    %dot_general3A_16 = tpu.matmul %mul3A_12, %get3A_15, %dot_general3A {dimension_numbers = #tpu.dot_dimension_numbers<[1], [0], [0], [1], [0, 0, 1, 1], [], []>, precision = #tpu.contract_precision<fp32>, transpose_lhs_hint = false} : vector<2000x128xf32>, vector<128x128xf32>, vector<2000x128xf32> -> vector<2000x128xf32>
    %swap3A = arith.constant 0 : index
    %swap3A_17 = arith.constant 0 : index
    %swap3A_18 = vector.load %arg4[%swap3A, %swap3A_17] : memref<2000x128xf32, #tpu.memory_space<vmem>>, vector<2000x128xf32>
    tpu.vector_store %arg4[%swap3A, %swap3A_17], %dot_general3A_16 {strides = array<i32>} : memref<2000x128xf32, #tpu.memory_space<vmem>>, vector<2000x128xf32>,
    return
  }
  func.func @transform_0(%arg0: i32) -> (i32, i32, i32) {
    %c0_i32 = arith.constant 0 : i32
    %c0_i32_0 = arith.constant 0 : i32
    %c0_i32_1 = arith.constant 0 : i32
    return %c0_i32, %arg0, %c0_i32_0 : i32, i32, i32
  }
  func.func @transform_1(%arg0: i32) -> (i32, i32) {
    %c0_i32 = arith.constant 0 : i32
    %c0_i32_0 = arith.constant 0 : i32
    return %arg0, %c0_i32 : i32, i32
  }
  func.func @transform_2(%arg0: i32) -> (i32, i32) {
    %c0_i32 = arith.constant 0 : i32
    %c0_i32_0 = arith.constant 0 : i32
    %c0_i32_1 = arith.constant 0 : i32
    return %c0_i32, %c0_i32_0 : i32, i32
  }
  func.func @transform_3(%arg0: i32) -> (i32, i32) {
    %c0_i32 = arith.constant 0 : i32
    %c0_i32_0 = arith.constant 0 : i32
    return %arg0, %c0_i32 : i32, i32
  }
}

module attributes {stable_mosaic.version = 14 : i64} {
  func.func @_scale_body(%arg0: i32, %arg1: memref<2000x128xf32, #tpu.memory_space<vmem>>, %arg2: memref<2x2000x1xf32, #tpu.memory_space<vmem>>, %arg3: memref<2000x128xf32, #tpu.memory_space<vmem>>, %arg4: memref<2000x1xf32, #tpu.memory_space<vmem>>) attributes {dimension_semantics = [#tpu.dimension_semantics<arbitrary>], iteration_bounds = array<i64: 5>, scalar_prefetch = 0 : i64, scratch_operands = 0 : i64, tpu.core_type = #tpu.core_type<tc>, window_params = [{transform_indices = @transform_0, window_bounds = array<i64: 2000, 128>}, {transform_indices = @transform_1, window_bounds = array<i64: 2, 2000, 1>}, {transform_indices = @transform_2, window_bounds = array<i64: 2000, 128>}, {transform_indices = @transform_3, window_bounds = array<i64: 2000, 1>}]} {
    %get3A = arith.constant 0 : index
    %get3A_0 = arith.constant 0 : index
    %get3A_1 = arith.constant 0 : index
    %get3A_2 = vector.load %arg2[%get3A, %get3A_0, %get3A_1] : memref<2x2000x1xf32, #tpu.memory_space<vmem>>, vector<1x2000x1xf32>
    %get3A_3 = vector.shape_cast %get3A_2 : vector<1x2000x1xf32> to vector<2000x1xf32>
    %get3A_4 = arith.constant 1 : index
    %get3A_5 = arith.constant 0 : index
    %get3A_6 = arith.constant 0 : index
    %get3A_7 = vector.load %arg2[%get3A_4, %get3A_5, %get3A_6] : memref<2x2000x1xf32, #tpu.memory_space<vmem>>, vector<1x2000x1xf32>
    %get3A_8 = vector.shape_cast %get3A_7 : vector<1x2000x1xf32> to vector<2000x1xf32>
    %add3A = arith.addf %get3A_3, %get3A_8 : vector<2000x1xf32>
    %gt3A = arith.constant 0.000000e+00 : f32
    %gt3A_9 = vector.broadcast %gt3A : f32 to vector<2000x1xf32>
    %gt3A_10 = arith.cmpf ogt, %add3A, %gt3A_9 : vector<2000x1xf32>
    %gt3A_11 = arith.constant 0.000000e+00 : f32
    %gt3A_12 = vector.broadcast %gt3A_11 : f32 to vector<2000x1xf32>
    %gt3A_13 = arith.cmpf ogt, %add3A, %gt3A_12 : vector<2000x1xf32>
    %jit3A = arith.constant 1.000000e+00 : f32
    %broadcast_in_dim3A = vector.broadcast %jit3A : f32 to vector<2000x1xf32>
    %select_n3A = arith.select %gt3A_13, %add3A, %broadcast_in_dim3A : vector<2000x1xi1>, vector<2000x1xf32>
    %rsqrt3A = math.rsqrt %select_n3A : vector<2000x1xf32>
    %jit3A_14 = arith.constant 0.000000e+00 : f32
    %broadcast_in_dim3A_15 = vector.broadcast %jit3A_14 : f32 to vector<2000x1xf32>
    %select_n3A_16 = arith.select %gt3A_10, %rsqrt3A, %broadcast_in_dim3A_15 : vector<2000x1xi1>, vector<2000x1xf32>
    %swap3A = arith.constant 0 : index
    %swap3A_17 = arith.constant 0 : index
    %swap3A_18 = vector.load %arg4[%swap3A, %swap3A_17] : memref<2000x1xf32, #tpu.memory_space<vmem>>, vector<2000x1xf32>
    tpu.vector_store %arg4[%swap3A, %swap3A_17], %select_n3A_16 {strides = array<i32>} : memref<2000x1xf32, #tpu.memory_space<vmem>>, vector<2000x1xf32>,
    %get3A_19 = arith.constant 0 : index
    %get3A_20 = arith.constant 0 : index
    %get3A_21 = vector.load %arg1[%get3A_19, %get3A_20] : memref<2000x128xf32, #tpu.memory_space<vmem>>, vector<2000x128xf32>
    %mul3A = vector.broadcast %select_n3A_16 : vector<2000x1xf32> to vector<2000x128xf32>
    %mul3A_22 = arith.mulf %get3A_21, %mul3A : vector<2000x128xf32>
    %swap3A_23 = arith.constant 0 : index
    %swap3A_24 = arith.constant 0 : index
    %swap3A_25 = vector.load %arg3[%swap3A_23, %swap3A_24] : memref<2000x128xf32, #tpu.memory_space<vmem>>, vector<2000x128xf32>
    tpu.vector_store %arg3[%swap3A_23, %swap3A_24], %mul3A_22 {strides = array<i32>} : memref<2000x128xf32, #tpu.memory_space<vmem>>, vector<2000x128xf32>,
    return
  }
  func.func @transform_0(%arg0: i32) -> (i32, i32) {
    %c0_i32 = arith.constant 0 : i32
    %c0_i32_0 = arith.constant 0 : i32
    return %arg0, %c0_i32 : i32, i32
  }
  func.func @transform_1(%arg0: i32) -> (i32, i32, i32) {
    %c0_i32 = arith.constant 0 : i32
    %c0_i32_0 = arith.constant 0 : i32
    %c0_i32_1 = arith.constant 0 : i32
    return %c0_i32, %arg0, %c0_i32_0 : i32, i32, i32
  }
  func.func @transform_2(%arg0: i32) -> (i32, i32) {
    %c0_i32 = arith.constant 0 : i32
    %c0_i32_0 = arith.constant 0 : i32
    return %arg0, %c0_i32 : i32, i32
  }
  func.func @transform_3(%arg0: i32) -> (i32, i32) {
    %c0_i32 = arith.constant 0 : i32
    %c0_i32_0 = arith.constant 0 : i32
    return %arg0, %c0_i32 : i32, i32
  }
}

</mosaic_0001>

<sc_bundles>
// kernel: kernel.6.cloned.1.call-start
scs
__scs_entry_jumppad:
0x0: {  	(pc) =	sbr.rel $0x88, $3  }
0x1: {  	(tag) =	ssettag $0x0;
	lr =	simm.s32 $0x1  }
0x2: {  	[smem:$0x3F9E] =	sst lr;
	_ =	strace $0xD0000000  }
0x3: {  	_ = 	snop  }
0x4: {  	_ = 	snop  }
0x5: {  	_ = 	snop  }
0x6: {  	_ = 	snop  }
0x7: {  	_ = 	snop  }
__scs_overlays_trampoline_lowered:
0x8: {  	[smem:$0x3FAD] =	sst s0  }
0x9: {  	[smem:$0x3FAE] =	sst s1  }
0xa: {  	[smem:$0x3FAF] =	sst s2  }
0xb: {  	[smem:$0x3FB0] =	sst s3  }
0xc: {  	[smem:$0x3FB1] =	sst s4  }
0xd: {  	[smem:$0x3FB2] =	sst s5  }
0xe: {  	[smem:$0x3FB3] =	sst s6  }
0xf: {  	[smem:$0x3FB4] =	sst s7  }
0x10: {  	[smem:$0x3FB5] =	sst s8  }
0x11: {  	[smem:$0x3FB6] =	sst s9;
	s0 =	simm.s32 @!p0 $0x0  }
0x12: {  	s1 =	sld [smem:$0x3F9C];
	s0 =	simm.s32 @p0 $0x1  }
0x13: {  	[smem:$0x3FB7] =	sst s0;
	s0 =	simm.s32 @!p1 $0x0  }
0x14: {  	s2 =	sld [smem:$0x3F9B];
	s0 =	simm.s32 @p1 $0x1  }
0x15: {  	[smem:$0x3FB8] =	sst s0;
	s0 =	simm.s32 @!p2 $0x0  }
0x16: {  	s3 =	sld [smem:$0x3FDB];
	s0 =	simm.s32 @p2 $0x1  }
0x17: {  	s4 =	simm.s32 $0x1BF5;
	[smem:$0x3FBA] =	sst s0  }
0x18: {  	s0 =	sld [smem:$0x3F9D];
	_ =	swait.ge [sflag:s4], $0x0  }
0x19: {  	s7 =	sld [smem:$0x3F9E]  }
0x1a: {  	s8 =	sadd.s32 $0xFFFFE003, lr  }
0x1b: {  	s9 =	sadd.s32 $0xFFFFFEF7, lr;
	s5 =	simm.s32 $0xFFFFFFFF;
	p2 =	slt.u32 s8, $0xFFFFF086  }
0x1c: {  	p1 =	slt.u32 s9, $0xF7A;
	s5 =	simm.s32 @!p2 $0x0  }
0x1d: {  	s5 =	simm.s32 @p1 $0x1;
	p0 =	seq.s32 s7, s2  }
0x1e: {  	s7 =	smul.u32 @!p0 $0xF7A, s2;
	p2 =	seq.s32 @!p0 s5, $0x0  }
0x1f: {  	s9 =	smul.u32 $0xF7A, s1;
	s8 =	simm.s32 @!p0 $0x1BF5;
	p2 =	por !p2, p0  }
0x20: {  	[sflag:s8] =	ssyncset.s32 @!p0 $0xFFFFF086;
	s6 =	sadd.s32 @!p0 s3, s7;
	s7 =	simm.s32 @!p0 $0x108  }
0x21: {  	s3 =	sadd.s32 s3, s9;
	s6 =	sadd.s32 @!p0 $0x88, s6;
	s7 =	simm.s32 @p2 $0x1082  }
0x22: {  	[simem:s7], [sflag:s8] =	dma.local @!p0 [hbm:s6], $0xF7A  }
0x23: {  	s9 =	sor.u32 $0xD0000000, s2;
	s6 =	simm.s32 $0x108;
	_ =	swait.ge @!p0 [sflag:s8], $0x0  }
0x24: {  	s3 =	sadd.s32 $0x88, s3;
	s6 =	simm.s32 @!p1 $0x1082;
	[sflag:s4] =	ssyncset.s32 $0xFFFFF086  }
0x25: {  	[simem:s6], [sflag:s4] =	dma.local [hbm:s3], $0xF7A  }
0x26: {  	[smem:$0x3F9E] =	sst s1;
	(tag) =	ssettag s2;
	_ =	strace s9  }
0x27: {  	s1 =	sld [smem:$0x3FAE]  }
0x28: {  	s2 =	sld [smem:$0x3FAF]  }
0x29: {  	s4 =	sld [smem:$0x3FB1]  }
0x2a: {  	p0 =	seq.s32 s5, $0x0;
	s5 =	sld [smem:$0x3FB2]  }
0x2b: {  	s6 =	sld [smem:$0x3FB3]  }
0x2c: {  	s7 =	sld [smem:$0x3FB4]  }
0x2d: {  	s3 =	simm.s32 $0x108;
	s8 =	sld [smem:$0x3FB5]  }
0x2e: {  	s3 =	simm.s32 @!p0 $0x1082;
	s9 =	sld [smem:$0x3FB6]  }
0x2f: {  	lr =	sadd.s32 s0, s3;
	s0 =	sld [smem:$0x3FAD]  }
0x30: {  	s3 =	sld [smem:$0x3FB0]  }
0x31: {  	[smem:$0x3FB9] =	sst s10  }
0x32: {  	s10 =	sld [smem:$0x3FB7];
	_ =	sdelay $0x3  }
0x33: {  	p0 =	seq.s32 s10, $0x1;
	s10 =	sld [smem:$0x3FB9];
	_ =	sdelay $0x3  }
0x34: {  	[smem:$0x3FB9] =	sst s10  }
0x35: {  	s10 =	sld [smem:$0x3FB8];
	_ =	sdelay $0x3  }
0x36: {  	p1 =	seq.s32 s10, $0x1;
	s10 =	sld [smem:$0x3FB9];
	_ =	sdelay $0x3  }
0x37: {  	[smem:$0x3FB9] =	sst s10  }
0x38: {  	s10 =	sld [smem:$0x3FBA]  }
0x39: {  	_ = 	snop;
	(pc) =	sbr.ind lr, $3  }
0x3a: {  	_ = 	snop  }
0x3b: {  	_ = 	snop  }
0x3c: {  	p2 =	seq.s32 s10, $0x1;
	s10 =	sld [smem:$0x3FB9]  }
0x3d: {  	_ =	shalt  }
0x3e: {  	_ =	shalt  }
0x3f: {  	_ =	shalt  }
0x40: {  	_ =	shalt  }
0x41: {  	_ =	shalt  }
0x42: {  	_ =	shalt  }
0x43: {  	_ =	shalt  }
0x44: {  	_ =	shalt  }
0x45: {  	_ =	shalt  }
0x46: {  	_ =	shalt  }
0x47: {  	_ =	shalt  }
0x48: {  	_ =	shalt  }
0x49: {  	_ =	shalt  }
0x4a: {  	_ =	shalt  }
0x4b: {  	_ =	shalt  }
0x4c: {  	_ =	shalt  }
0x4d: {  	_ =	shalt  }
0x4e: {  	_ =	shalt  }
0x4f: {  	_ =	shalt  }
0x50: {  	_ =	shalt  }
0x51: {  	_ =	shalt  }
0x52: {  	_ =	shalt  }
0x53: {  	_ =	shalt  }
0x54: {  	_ =	shalt  }
0x55: {  	_ =	shalt  }
0x56: {  	_ =	shalt  }
0x57: {  	_ =	shalt  }
0x58: {  	_ =	shalt  }
0x59: {  	_ =	shalt  }
0x5a: {  	_ =	shalt  }
0x5b: {  	_ =	shalt  }
0x5c: {  	_ =	shalt  }
0x5d: {  	_ =	shalt  }
0x5e: {  	_ =	shalt  }
0x5f: {  	_ =	shalt  }
0x60: {  	_ =	shalt  }
0x61: {  	_ =	shalt  }
0x62: {  	_ =	shalt  }
0x63: {  	_ =	shalt  }
0x64: {  	_ =	shalt  }
0x65: {  	_ =	shalt  }
0x66: {  	_ =	shalt  }
0x67: {  	_ =	shalt  }
0x68: {  	_ =	shalt  }
0x69: {  	_ =	shalt  }
0x6a: {  	_ =	shalt  }
0x6b: {  	_ =	shalt  }
0x6c: {  	_ =	shalt  }
0x6d: {  	_ =	shalt  }
0x6e: {  	_ =	shalt  }
0x6f: {  	_ =	shalt  }
0x70: {  	_ =	shalt  }
0x71: {  	_ =	shalt  }
0x72: {  	_ =	shalt  }
0x73: {  	_ =	shalt  }
0x74: {  	_ =	shalt  }
0x75: {  	_ =	shalt  }
0x76: {  	_ =	shalt  }
0x77: {  	_ =	shalt  }
0x78: {  	_ =	shalt  }
0x79: {  	_ =	shalt  }
0x7a: {  	_ =	shalt  }
0x7b: {  	_ =	shalt  }
0x7c: {  	_ =	shalt  }
0x7d: {  	_ =	shalt  }
0x7e: {  	_ =	shalt  }
0x7f: {  	_ =	shalt  }
0x80: {  	_ =	shalt  }
0x81: {  	_ =	shalt  }
0x82: {  	_ =	shalt  }
0x83: {  	_ =	shalt  }
0x84: {  	_ =	shalt  }
0x85: {  	_ =	shalt  }
0x86: {  	_ =	shalt  }
0x87: {  	_ =	shalt  }
.Lfunc_end0:
.L_simem_size_0:
called_computation_lowered:
.L_overlay_start_0:
0x88: {  	s2 =	sld [smem:$0x3FD9]  }
0x89: {  	s3 =	sld [smem:$0x3FFE];
	_ =	sdelay $0x1  }
0x8a: {  	s1 =	srdreg.scid  }
0x8b: {  	s0 =	sand.u32 $0x1, s1  }
0x8c: {  	s17 =	sshll.u32 s0, $0xA;
	s2 =	sadd.s32 s3, s2  }
0x8d: {  	s2 =	sadd.s32 s2, s17  }
0x8e: {  	[smem:$0x3FC5] =	sst s2  }
0x8f: {  	_ = 	snop  }
0x90: {  	s2 =	sld [smem:$0x3FD0];
	(tm) =	ssettm $0x1  }
0x91: {  	s18 =	sld [smem:$0x3FFB];
	_ =	sdelay $0x3  }
0x92: {  	_ =	strace s18  }
0x93: {  	s3 =	sld [smem:$0x3FFC];
	_ =	sdelay $0x3  }
0x94: {  	_ =	strace s3  }
0x95: {  	s3 =	sld [smem:$0x3FFD];
	_ =	sdelay $0x3  }
0x96: {  	_ =	strace s3  }
0x97: {  	_ =	strace $0x8FFFFFFF  }
0x98: {  	s19 =	sld [smem:$0x3FDB];
	_ =	sdelay $0x1  }
0x99: {  	s4 =	simm.s32 $_scs_section_size  }
0x9a: {  	s5 =	simm.s32 $_size__tile_overlayer_lowered;
	s6 =	simm.s32 $_tile_overlayer_lowered  }
0x9b: {  	s22 =	simm.s32 $0x1BFF;
	s21 =	sshll.u32 s6, $0x1;
	s3 =	sadd.s32 s4, s19  }
0x9c: {  	s7 =	simm.s32 $0x0;
	s20 =	sshll.u32 s5, $0x1;
	s5 =	sadd.s32 s21, s3  }
0x9d: {  	[timem:s7], [sflag:s22] =	dma.local [hbm:s5], s20  }
0x9e: {  	_ =	swait.ge [sflag:s22], s20  }
0x9f: {  	s4 =	ssub.s32 $0x0, s20;
	[sflag:s22] =	ssyncset.done $0x0  }
0xa0: {  	[sflag:s22] =	ssyncadd.s32 s4;
	_ =	sdelay $0x1  }
0xa1: {  	s23 =	simm.s32 $0x1B8B  }
0xa2: {  	_ =	swait.ge [sflag:s23], $0x1  }
0xa3: {  	[sflag:s23] =	ssyncset.done $0x0  }
0xa4: {  	s25 =	simm.s32 $0x1B8E;
	s24 =	sld [smem:$0x3FFE];
	[sflag:s23] =	ssyncadd.s32 $0xFFFFFFFF  }
0xa5: {  	s26 =	simm.s32 $execute0_lowered;
	[smem:$0x3FD2] =	sst s25  }
0xa6: {  	s5 =	sshll.u32 s26, $0x1;
	_ =	strace $0x80000046;
	[dreg:$0x1] =	wrdreg $0xFFFFFFFF  }
0xa7: {  	s28 =	simm.s32 $_size_execute0_lowered;
	s3 =	sadd.s32 s3, s5;
	[dreg:$0x0] =	wrdreg $0x0  }
0xa8: {  	s5 =	sshll.u32 s28, $0x1;
	[dreg:$0x2] =	wrdreg s3  }
0xa9: {  	[dreg:$0x3] =	wrdreg s5  }
0xaa: {  	[dreg:$0x4] =	wrdreg $0xC0  }
0xab: {  	_ =	task [dreg:s7], $0x5FFFF  }
0xac: {  	[dreg:$0x1] =	wrdreg $0xFFFFFFFF  }
0xad: {  	[dreg:$0x0] =	wrdreg $0x60  }
0xae: {  	[dreg:$0x2] =	wrdreg s24  }
0xaf: {  	[dreg:$0x3] =	wrdreg s2  }
0xb0: {  	[dreg:$0x4] =	wrdreg $0x0  }
0xb1: {  	[dreg:$0x5] =	wrdreg $0x9  }
0xb2: {  	_ =	task.clear_ibuf [dreg:s7], $0x6FFFF;
	_ =	strace $0x90000046  }
0xb3: {  	s29 =	simm.s32 $0x9;
	_ =	strace $0x80000048  }
0xb4: {  	_ =	swait.ge [sflag:s29], $0x1  }
0xb5: {  	[sflag:s29] =	ssyncadd.s32 $0xFFFFFFFF  }
0xb6: {  	_ =	strace $0x90000048  }
0xb7: {  	_ =	sfence  }
0xb8: {  	s30 =	sld [smem:$0x0];
	_ =	sdelay $0x2  }
0xb9: {  	s31 =	sshll.u32 s1, $0xD;
	s1 =	sshrl.u32 s1, $0x2  }
0xba: {  	s3 =	sand.u32 $0x4000, s31;
	s1 =	sadd.s32 s1, s30  }
0xbb: {  	s0 =	sor.u32 s3, s0;
	s1 =	sshll.u32 s1, $0x11  }
0xbc: {  	s0 =	sor.u32 s1, s0  }
0xbd: {  	s0 =	sadd.s32 $0x8F2B, s0  }
0xbe: {  	[sflag:s0] =	ssyncadd.remote.s32 $0x1  }
0xbf: {  	_ =	sfence.sel $0xFFFF  }
0xc0: {  	[dreg:$0x0] =	wrdreg $0xFFFFFFFF;
	(pc) =	sbr.abs _section_cstart, $3  }
0xc1: {  	[dreg:$0x1] =	wrdreg $0xFFFFFFFF  }
0xc2: {  	_ =	task.clear_ibuf [dreg:s7], $0x2FFFF;
	_ =	strace $0x9FFFFFFF  }
0xc3: {  	(tm) =	ssettm $0x7FFFFFFF  }
tec
execute0_lowered:
.L_overlay_start_1:
0x0: {  	(tag) =	ssettag $0x1  }
0x1: {  	s4 =	rddreg [dreg:$0x0]  }
0x2: {  	s7 =	rddreg [dreg:$0x1]  }
0x3: {  	s1 =	srdreg.scid;
	s0 =	stileid.u32  }
0x4: {  	s2 =	rddreg [dreg:$0x2];
	s3 =	simm.s32 $0x0;
	s13 =	simm.s32 $0x80  }
0x5: {  	s14 =	simm.s32 $0x2A80;
	s15 =	simm.s32 $0x300;
	s16 =	simm.s32 $0x380  }
0x6: {  	s17 =	simm.s32 $0x400;
	s18 =	simm.s32 $0x2;
	s19 =	simm.s32 $0x3  }
0x7: {  	s20 =	simm.s32 $0x4;
	s21 =	simm.s32 $0x5;
	s22 =	simm.s32 $0x2880  }
0x8: {  	s23 =	simm.s32 $0x2900;
	s24 =	simm.s32 $0x2980;
	s25 =	simm.s32 $0x20  }
0x9: {  	s26 =	simm.s32 $0x10;
	s28 =	simm.s32 $0x0;
	s6 =	sand.u32 $0x1, s1  }
0xa: {  	s5 =	sshll.u32 s0, $0x1;
	s1 =	rddreg [dreg:$0x3];
	s9 =	smul.u32 $0xA00, s0  }
0xb: {  	[smem:$0x7FF] =	sst s3;
	s11 =	smul.u32 $0x500, s0;
	s30 =	sshll.u32 s0, $0x6  }
0xc: {  	s5 =	sor.u32 s6, s5;
	_ =	strace $0x80000047;
	s8 =	ssub.s32 $0x2, s6  }
0xd: {  	s6 =	sshll.u32 s6, $0x7;
	s5 =	smul.u32 $0x500, s5;
	s10 =	sshrl.u32 s8, $0x1  }
0xe: {  	s9 =	sshrl.u32 s9, $0x2;
	s11 =	sor.u32 s6, s11;
	s6 =	sor.u32 $0x1C06, s30  }
0xf: {  	s8 =	ssub.s32 s8, s10;
	s12 =	sadd.s32 s9, s2;
	s31 =	sshrl.u32 s11, $0x3  }
0x10: {  	s9 =	simm.s32 $0x280;
	s11 =	simm.s32 $0x6;
	s5 =	sadd.s32 s5, s4  }
0x11: {  	s4 =	sadd.s32 $0xB200, s4;
	s7 =	sadd.s32 s7, s31;
	s8 =	smax.u32 s8, $0x1  }
0x12: {  	v0 =	vimm.f32 $1.000000000e+00;
	s10 =	sshrl.u32 s12, $0x3;
	s12 =	simm.s32 $0x1;
	s5 =	sadd.s32 $0x1200, s5  }
.LBB2_1:
0x13: {  	[tilespmem:s9], [sflag:$0x1] =	stream.linear.gather [hbm4b:s5+s3], $0x2780, $0x38;
	[tilespmem:$0x2B00] =	vst v63  }
0x14: {  	[spmem:s10], [sflag:s6] =	dma.local [hbm:s4], $0x50  }
0x15: {  	_ =	swait.ge [sflag:s11], $0x50  }
0x16: {  	[sflag:s11] =	ssyncset.done $0x0  }
0x17: {  	[sflag:s11] =	ssyncadd.s32 $0xFFFFFFB0  }
0x18: {  	[tilespmem:$0x2A80] =	vst v0  }
0x19: {  	[tilespmem:$0x2A90] =	vst v0  }
0x1a: {  	[tilespmem:$0x2AA0] =	vst v0  }
0x1b: {  	[tilespmem:$0x2AB0] =	vst v0  }
0x1c: {  	[tilespmem:$0x2AC0] =	vst v0  }
0x1d: {  	[tilespmem:$0x2AD0] =	vst v0  }
0x1e: {  	[tilespmem:$0x2AE0] =	vst v0  }
0x1f: {  	[tilespmem:$0x2AF0] =	vst v0  }
0x20: {  	_ =	swait.ge [sflag:s12], $0x2780  }
0x21: {  	[sflag:s12] =	ssyncset.done $0x0  }
0x22: {  	[sflag:s12] =	ssyncadd.s32 $0xFFFFD880  }
0x23: {  	[bflag:$0x0] =	sbarrier.arrive $0xFFFF  }
0x24: {  	[spmem:s2] =	stream.indirect.scatter.add.f32 [tilespmem:s14], [sflag:$0x2], $0x1, s9, s13, $0xb8;
	[tilespmem:$0x2B00] =	vst v63  }
0x25: {  	_ = 	snop  }
0x26: {  	[spmem:s2] =	stream.indirect.scatter.add.f32 [tilespmem:s14], [sflag:$0x3], $0x1, s15, s13, $0xb8;
	[tilespmem:$0x2B00] =	vst v63  }
0x27: {  	_ = 	snop  }
0x28: {  	[spmem:s2] =	stream.indirect.scatter.add.f32 [tilespmem:s14], [sflag:$0x4], $0x1, s16, s13, $0xb8;
	[tilespmem:$0x2B00] =	vst v63  }
0x29: {  	_ = 	snop  }
0x2a: {  	[spmem:s2] =	stream.indirect.scatter.add.f32 [tilespmem:s14], [sflag:$0x5], $0x1, s17, s13, $0xb8;
	[tilespmem:$0x2B00] =	vst v63  }
0x2b: {  	_ =	swait.ge [sflag:s18], $0x80  }
0x2c: {  	[sflag:s18] =	ssyncset.done $0x0  }
0x2d: {  	s29 =	simm.s32 $0x480;
	[sflag:s18] =	ssyncadd.s32 $0xFFFFFF80  }
0x2e: {  	[spmem:s2] =	stream.indirect.scatter.add.f32 [tilespmem:s14], [sflag:$0x2], $0x1, s29, s13, $0xb8;
	[tilespmem:$0x2B00] =	vst v63  }
0x2f: {  	_ =	swait.ge [sflag:s19], $0x80  }
0x30: {  	[sflag:s19] =	ssyncset.done $0x0  }
0x31: {  	s29 =	simm.s32 $0x500;
	[sflag:s19] =	ssyncadd.s32 $0xFFFFFF80  }
0x32: {  	[spmem:s2] =	stream.indirect.scatter.add.f32 [tilespmem:s14], [sflag:$0x3], $0x1, s29, s13, $0xb8;
	[tilespmem:$0x2B00] =	vst v63  }
0x33: {  	_ =	swait.ge [sflag:s20], $0x80  }
0x34: {  	[sflag:s20] =	ssyncset.done $0x0  }
0x35: {  	s29 =	simm.s32 $0x580;
	[sflag:s20] =	ssyncadd.s32 $0xFFFFFF80  }
0x36: {  	[spmem:s2] =	stream.indirect.scatter.add.f32 [tilespmem:s14], [sflag:$0x4], $0x1, s29, s13, $0xb8;
	[tilespmem:$0x2B00] =	vst v63  }
0x37: {  	_ =	swait.ge [sflag:s21], $0x80  }
0x38: {  	[sflag:s21] =	ssyncset.done $0x0  }
0x39: {  	s30 =	simm.s32 $0x600;
	s29 =	simm.s32 $0xFFFF7800;
	[sflag:s21] =	ssyncadd.s32 $0xFFFFFF80  }
.LBB2_2:
0x3a: {  	[spmem:s2] =	stream.indirect.scatter.add.f32 [tilespmem:s14], [sflag:$0x5], $0x1, s30, s13, $0xb8;
	[tilespmem:$0x2B00] =	vst v63  }
0x3b: {  	s30 =	smov.u32 s29  }
0x3c: {  	p0 =	sne.s32 s29, $0xFFFFF800;
	s29 =	sadd.s32 $0x800, s29;
	_ =	swait.ge [sflag:s18], $0x80  }
0x3d: {  	s30 =	sshra.s32 s30, $0x2;
	[sflag:s18] =	ssyncset.done $0x0  }
0x3e: {  	s31 =	sadd.s32 $0x2880, s30;
	[sflag:s18] =	ssyncadd.s32 $0xFFFFFF80  }
0x3f: {  	[spmem:s2] =	stream.indirect.scatter.add.f32 [tilespmem:s14], [sflag:$0x2], $0x1, s31, s13, $0xb8;
	[tilespmem:$0x2B00] =	vst v63  }
0x40: {  	_ =	swait.ge [sflag:s19], $0x80  }
0x41: {  	[sflag:s19] =	ssyncset.done $0x0  }
0x42: {  	s31 =	sadd.s32 $0x2900, s30;
	[sflag:s19] =	ssyncadd.s32 $0xFFFFFF80  }
0x43: {  	[spmem:s2] =	stream.indirect.scatter.add.f32 [tilespmem:s14], [sflag:$0x3], $0x1, s31, s13, $0xb8;
	[tilespmem:$0x2B00] =	vst v63  }
0x44: {  	_ =	swait.ge [sflag:s20], $0x80  }
0x45: {  	[sflag:s20] =	ssyncset.done $0x0  }
.Ltmp0:
0x46: {  	s31 =	sadd.s32 $0x2980, s30;
	[sflag:s20] =	ssyncadd.s32 $0xFFFFFF80;
	(pc) =	sbr.rel @p0 .LBB2_2-.Ltmp0, $4  }
0x47: {  	[spmem:s2] =	stream.indirect.scatter.add.f32 [tilespmem:s14], [sflag:$0x4], $0x1, s31, s13, $0xb8;
	[tilespmem:$0x2B00] =	vst v63  }
0x48: {  	_ =	swait.ge [sflag:s21], $0x80  }
0x49: {  	[sflag:s21] =	ssyncset.done $0x0  }
0x4a: {  	s30 =	sadd.s32 $0x2A00, s30;
	[sflag:s21] =	ssyncadd.s32 $0xFFFFFF80  }
0x4b: {  	[spmem:s2] =	stream.indirect.scatter.add.f32 [tilespmem:s14], [sflag:$0x5], $0x1, s30, s13, $0xb8;
	[tilespmem:$0x2B00] =	vst v63  }
0x4c: {  	_ =	swait.ge [sflag:s18], $0x80  }
0x4d: {  	[sflag:s18] =	ssyncset.done $0x0  }
0x4e: {  	[sflag:s18] =	ssyncadd.s32 $0xFFFFFF80  }
0x4f: {  	[spmem:s2] =	stream.indirect.scatter.add.f32 [tilespmem:s14], [sflag:$0x2], $0x1, s22, s13, $0xb8;
	[tilespmem:$0x2B00] =	vst v63  }
0x50: {  	_ =	swait.ge [sflag:s19], $0x80  }
0x51: {  	[sflag:s19] =	ssyncset.done $0x0  }
0x52: {  	[sflag:s19] =	ssyncadd.s32 $0xFFFFFF80  }
0x53: {  	[spmem:s2] =	stream.indirect.scatter.add.f32 [tilespmem:s14], [sflag:$0x3], $0x1, s23, s13, $0xb8;
	[tilespmem:$0x2B00] =	vst v63  }
0x54: {  	_ =	swait.ge [sflag:s20], $0x80  }
0x55: {  	[sflag:s20] =	ssyncset.done $0x0  }
0x56: {  	[sflag:s20] =	ssyncadd.s32 $0xFFFFFF80  }
0x57: {  	[spmem:s2] =	stream.indirect.scatter.add.f32 [tilespmem:s14], [sflag:$0x4], $0x1, s24, s13, $0xb8;
	[tilespmem:$0x2B00] =	vst v63  }
0x58: {  	_ =	swait.ge [sflag:s21], $0x80  }
0x59: {  	[sflag:s21] =	ssyncset.done $0x0  }
0x5a: {  	[sflag:s21] =	ssyncadd.s32 $0xFFFFFF80  }
0x5b: {  	_ =	swait.ge [sflag:s18], $0x80  }
0x5c: {  	[sflag:s18] =	ssyncset.done $0x0  }
0x5d: {  	[sflag:s18] =	ssyncadd.s32 $0xFFFFFF80  }
0x5e: {  	_ =	swait.ge [sflag:s19], $0x80  }
0x5f: {  	[sflag:s19] =	ssyncset.done $0x0  }
0x60: {  	[sflag:s19] =	ssyncadd.s32 $0xFFFFFF80  }
0x61: {  	_ =	swait.ge [sflag:s20], $0x80  }
0x62: {  	s28 =	sadd.s32 $0x1, s28;
	[sflag:s20] =	ssyncset.done $0x0  }
0x63: {  	p0 =	sne.s32 s28, s8;
	[sflag:s20] =	ssyncadd.s32 $0xFFFFFF80  }
.Ltmp1:
0x64: {  	[bflag:$0x0] =	sbarrier.arrive $0xFFFF;
	(pc) =	sbr.rel @p0 .LBB2_1-.Ltmp1, $4  }
0x65: {  	[hbm:s7@s25], [sflag:s6] =	dma.strided [spmem:s10@s26], $0x50, s12, $0x10   }
0x66: {  	_ =	swait.ge [sflag:s11], $0x50  }
0x67: {  	[sflag:s11] =	ssyncset.done $0x0  }
0x68: {  	[sflag:s11] =	ssyncadd.s32 $0xFFFFFFB0  }
0x69: {  	_ =	sfence.sel $0x180000  }
0x6a: {  	[bflag:$0x0] =	sbarrier.arrive $0xFFFF  }
0x6b: {  	p0 =	sne.s32 s0, $0x0;
	_ =	strace $0x90000047  }
0x6c: {  	s0 =	sadd.s32 @!p0 $0x100000, s1;
	[bflag:$0x2] =	sbarrier.arrive $0xFFFF  }
0x6d: {  	[sflag:s0] =	ssyncadd.tile.s32 @!p0 $0x1;
	_ =	shalt  }
.Lfunc_end2:
_tile_overlayer_lowered:
.L_overlay_start_2:
0x6e: {  	(tag) =	ssettag $0x2  }
0x6f: {  	s0 =	rddreg [dreg:$0x0];
	s2 =	stileid.u32  }
0x70: {  	s1 =	rddreg [dreg:$0x1];
	p0 =	sne.s32 s2, $0x0  }
0x71: {  	s3 =	rddreg [dreg:$0x2];
	[bflag:$0x3] =	sbarrier.arrive $0xFFFF;
	s2 =	simm.s32 @!p0 $0x1C06  }
0x72: {  	[timem:s3], [sflag:s2] =	dma.local @!p0 [hbm:s0], s1  }
0x73: {  	s0 =	simm.s32 @!p0 $0x6  }
0x74: {  	_ =	swait.ge @!p0 [sflag:s0], s1  }
0x75: {  	s1 =	ssub.s32 @!p0 $0x0, s1;
	[sflag:s0] =	ssyncset.done @!p0 $0x0  }
0x76: {  	[sflag:s0] =	ssyncadd.s32 @!p0 s1  }
0x77: {  	[bflag:$0x3] =	sbarrier.arrive $0xFFFF  }
0x78: {  	_ =	shalt  }

// kernel: kernel.9.cloned.1.call-start
scs
__scs_entry_jumppad:
0x0: {  	(pc) =	sbr.rel $0x88, $3  }
0x1: {  	(tag) =	ssettag $0x0;
	lr =	simm.s32 $0x1  }
0x2: {  	[smem:$0x3F9E] =	sst lr;
	_ =	strace $0xD0000000  }
0x3: {  	_ = 	snop  }
0x4: {  	_ = 	snop  }
0x5: {  	_ = 	snop  }
0x6: {  	_ = 	snop  }
0x7: {  	_ = 	snop  }
__scs_overlays_trampoline_lowered:
0x8: {  	[smem:$0x3FAD] =	sst s0  }
0x9: {  	[smem:$0x3FAE] =	sst s1  }
0xa: {  	[smem:$0x3FAF] =	sst s2  }
0xb: {  	[smem:$0x3FB0] =	sst s3  }
0xc: {  	[smem:$0x3FB1] =	sst s4  }
0xd: {  	[smem:$0x3FB2] =	sst s5  }
0xe: {  	[smem:$0x3FB3] =	sst s6  }
0xf: {  	[smem:$0x3FB4] =	sst s7  }
0x10: {  	[smem:$0x3FB5] =	sst s8  }
0x11: {  	[smem:$0x3FB6] =	sst s9;
	s0 =	simm.s32 @!p0 $0x0  }
0x12: {  	s1 =	sld [smem:$0x3F9C];
	s0 =	simm.s32 @p0 $0x1  }
0x13: {  	[smem:$0x3FB7] =	sst s0;
	s0 =	simm.s32 @!p1 $0x0  }
0x14: {  	s2 =	sld [smem:$0x3F9B];
	s0 =	simm.s32 @p1 $0x1  }
0x15: {  	[smem:$0x3FB8] =	sst s0;
	s0 =	simm.s32 @!p2 $0x0  }
0x16: {  	s3 =	sld [smem:$0x3FDB];
	s0 =	simm.s32 @p2 $0x1  }
0x17: {  	s4 =	simm.s32 $0x1BF5;
	[smem:$0x3FBA] =	sst s0  }
0x18: {  	s0 =	sld [smem:$0x3F9D];
	_ =	swait.ge [sflag:s4], $0x0  }
0x19: {  	s7 =	sld [smem:$0x3F9E]  }
0x1a: {  	s8 =	sadd.s32 $0xFFFFE003, lr  }
0x1b: {  	s9 =	sadd.s32 $0xFFFFFEF7, lr;
	s5 =	simm.s32 $0xFFFFFFFF;
	p2 =	slt.u32 s8, $0xFFFFF086  }
0x1c: {  	p1 =	slt.u32 s9, $0xF7A;
	s5 =	simm.s32 @!p2 $0x0  }
0x1d: {  	s5 =	simm.s32 @p1 $0x1;
	p0 =	seq.s32 s7, s2  }
0x1e: {  	s7 =	smul.u32 @!p0 $0xF7A, s2;
	p2 =	seq.s32 @!p0 s5, $0x0  }
0x1f: {  	s9 =	smul.u32 $0xF7A, s1;
	s8 =	simm.s32 @!p0 $0x1BF5;
	p2 =	por !p2, p0  }
0x20: {  	[sflag:s8] =	ssyncset.s32 @!p0 $0xFFFFF086;
	s6 =	sadd.s32 @!p0 s3, s7;
	s7 =	simm.s32 @!p0 $0x108  }
0x21: {  	s3 =	sadd.s32 s3, s9;
	s6 =	sadd.s32 @!p0 $0x88, s6;
	s7 =	simm.s32 @p2 $0x1082  }
0x22: {  	[simem:s7], [sflag:s8] =	dma.local @!p0 [hbm:s6], $0xF7A  }
0x23: {  	s9 =	sor.u32 $0xD0000000, s2;
	s6 =	simm.s32 $0x108;
	_ =	swait.ge @!p0 [sflag:s8], $0x0  }
0x24: {  	s3 =	sadd.s32 $0x88, s3;
	s6 =	simm.s32 @!p1 $0x1082;
	[sflag:s4] =	ssyncset.s32 $0xFFFFF086  }
0x25: {  	[simem:s6], [sflag:s4] =	dma.local [hbm:s3], $0xF7A  }
0x26: {  	[smem:$0x3F9E] =	sst s1;
	(tag) =	ssettag s2;
	_ =	strace s9  }
0x27: {  	s1 =	sld [smem:$0x3FAE]  }
0x28: {  	s2 =	sld [smem:$0x3FAF]  }
0x29: {  	s4 =	sld [smem:$0x3FB1]  }
0x2a: {  	p0 =	seq.s32 s5, $0x0;
	s5 =	sld [smem:$0x3FB2]  }
0x2b: {  	s6 =	sld [smem:$0x3FB3]  }
0x2c: {  	s7 =	sld [smem:$0x3FB4]  }
0x2d: {  	s3 =	simm.s32 $0x108;
	s8 =	sld [smem:$0x3FB5]  }
0x2e: {  	s3 =	simm.s32 @!p0 $0x1082;
	s9 =	sld [smem:$0x3FB6]  }
0x2f: {  	lr =	sadd.s32 s0, s3;
	s0 =	sld [smem:$0x3FAD]  }
0x30: {  	s3 =	sld [smem:$0x3FB0]  }
0x31: {  	[smem:$0x3FB9] =	sst s10  }
0x32: {  	s10 =	sld [smem:$0x3FB7];
	_ =	sdelay $0x3  }
0x33: {  	p0 =	seq.s32 s10, $0x1;
	s10 =	sld [smem:$0x3FB9];
	_ =	sdelay $0x3  }
0x34: {  	[smem:$0x3FB9] =	sst s10  }
0x35: {  	s10 =	sld [smem:$0x3FB8];
	_ =	sdelay $0x3  }
0x36: {  	p1 =	seq.s32 s10, $0x1;
	s10 =	sld [smem:$0x3FB9];
	_ =	sdelay $0x3  }
0x37: {  	[smem:$0x3FB9] =	sst s10  }
0x38: {  	s10 =	sld [smem:$0x3FBA]  }
0x39: {  	_ = 	snop;
	(pc) =	sbr.ind lr, $3  }
0x3a: {  	_ = 	snop  }
0x3b: {  	_ = 	snop  }
0x3c: {  	p2 =	seq.s32 s10, $0x1;
	s10 =	sld [smem:$0x3FB9]  }
0x3d: {  	_ =	shalt  }
0x3e: {  	_ =	shalt  }
0x3f: {  	_ =	shalt  }
0x40: {  	_ =	shalt  }
0x41: {  	_ =	shalt  }
0x42: {  	_ =	shalt  }
0x43: {  	_ =	shalt  }
0x44: {  	_ =	shalt  }
0x45: {  	_ =	shalt  }
0x46: {  	_ =	shalt  }
0x47: {  	_ =	shalt  }
0x48: {  	_ =	shalt  }
0x49: {  	_ =	shalt  }
0x4a: {  	_ =	shalt  }
0x4b: {  	_ =	shalt  }
0x4c: {  	_ =	shalt  }
0x4d: {  	_ =	shalt  }
0x4e: {  	_ =	shalt  }
0x4f: {  	_ =	shalt  }
0x50: {  	_ =	shalt  }
0x51: {  	_ =	shalt  }
0x52: {  	_ =	shalt  }
0x53: {  	_ =	shalt  }
0x54: {  	_ =	shalt  }
0x55: {  	_ =	shalt  }
0x56: {  	_ =	shalt  }
0x57: {  	_ =	shalt  }
0x58: {  	_ =	shalt  }
0x59: {  	_ =	shalt  }
0x5a: {  	_ =	shalt  }
0x5b: {  	_ =	shalt  }
0x5c: {  	_ =	shalt  }
0x5d: {  	_ =	shalt  }
0x5e: {  	_ =	shalt  }
0x5f: {  	_ =	shalt  }
0x60: {  	_ =	shalt  }
0x61: {  	_ =	shalt  }
0x62: {  	_ =	shalt  }
0x63: {  	_ =	shalt  }
0x64: {  	_ =	shalt  }
0x65: {  	_ =	shalt  }
0x66: {  	_ =	shalt  }
0x67: {  	_ =	shalt  }
0x68: {  	_ =	shalt  }
0x69: {  	_ =	shalt  }
0x6a: {  	_ =	shalt  }
0x6b: {  	_ =	shalt  }
0x6c: {  	_ =	shalt  }
0x6d: {  	_ =	shalt  }
0x6e: {  	_ =	shalt  }
0x6f: {  	_ =	shalt  }
0x70: {  	_ =	shalt  }
0x71: {  	_ =	shalt  }
0x72: {  	_ =	shalt  }
0x73: {  	_ =	shalt  }
0x74: {  	_ =	shalt  }
0x75: {  	_ =	shalt  }
0x76: {  	_ =	shalt  }
0x77: {  	_ =	shalt  }
0x78: {  	_ =	shalt  }
0x79: {  	_ =	shalt  }
0x7a: {  	_ =	shalt  }
0x7b: {  	_ =	shalt  }
0x7c: {  	_ =	shalt  }
0x7d: {  	_ =	shalt  }
0x7e: {  	_ =	shalt  }
0x7f: {  	_ =	shalt  }
0x80: {  	_ =	shalt  }
0x81: {  	_ =	shalt  }
0x82: {  	_ =	shalt  }
0x83: {  	_ =	shalt  }
0x84: {  	_ =	shalt  }
0x85: {  	_ =	shalt  }
0x86: {  	_ =	shalt  }
0x87: {  	_ =	shalt  }
.Lfunc_end0:
.L_simem_size_0:
called_computation.1_lowered:
.L_overlay_start_0:
0x88: {  	s2 =	sld [smem:$0x3FD9]  }
0x89: {  	s3 =	sld [smem:$0x3FFE];
	_ =	sdelay $0x1  }
0x8a: {  	s1 =	srdreg.scid  }
0x8b: {  	s0 =	sand.u32 $0x1, s1  }
0x8c: {  	s17 =	sshll.u32 s0, $0xA;
	s2 =	sadd.s32 s3, s2  }
0x8d: {  	s2 =	sadd.s32 s2, s17  }
0x8e: {  	[smem:$0x3FC5] =	sst s2  }
0x8f: {  	_ = 	snop  }
0x90: {  	s2 =	sld [smem:$0x3FD0];
	(tm) =	ssettm $0x1  }
0x91: {  	s18 =	sld [smem:$0x3FFB];
	_ =	sdelay $0x3  }
0x92: {  	_ =	strace s18  }
0x93: {  	s3 =	sld [smem:$0x3FFC];
	_ =	sdelay $0x3  }
0x94: {  	_ =	strace s3  }
0x95: {  	s3 =	sld [smem:$0x3FFD];
	_ =	sdelay $0x3  }
0x96: {  	_ =	strace s3  }
0x97: {  	_ =	strace $0x8FFFFFFF  }
0x98: {  	s19 =	sld [smem:$0x3FDB];
	_ =	sdelay $0x1  }
0x99: {  	s4 =	simm.s32 $_scs_section_size  }
0x9a: {  	s5 =	simm.s32 $_size__tile_overlayer_lowered;
	s6 =	simm.s32 $_tile_overlayer_lowered  }
0x9b: {  	s22 =	simm.s32 $0x1BFF;
	s21 =	sshll.u32 s6, $0x1;
	s3 =	sadd.s32 s4, s19  }
0x9c: {  	s7 =	simm.s32 $0x0;
	s20 =	sshll.u32 s5, $0x1;
	s5 =	sadd.s32 s21, s3  }
0x9d: {  	[timem:s7], [sflag:s22] =	dma.local [hbm:s5], s20  }
0x9e: {  	_ =	swait.ge [sflag:s22], s20  }
0x9f: {  	s4 =	ssub.s32 $0x0, s20;
	[sflag:s22] =	ssyncset.done $0x0  }
0xa0: {  	[sflag:s22] =	ssyncadd.s32 s4;
	_ =	sdelay $0x1  }
0xa1: {  	s23 =	simm.s32 $0x1B8B  }
0xa2: {  	_ =	swait.ge [sflag:s23], $0x1  }
0xa3: {  	[sflag:s23] =	ssyncset.done $0x0  }
0xa4: {  	s25 =	simm.s32 $0x1B8E;
	s24 =	sld [smem:$0x3FFE];
	[sflag:s23] =	ssyncadd.s32 $0xFFFFFFFF  }
0xa5: {  	s26 =	simm.s32 $execute0_lowered;
	[smem:$0x3FD2] =	sst s25  }
0xa6: {  	s5 =	sshll.u32 s26, $0x1;
	_ =	strace $0x80000049;
	[dreg:$0x1] =	wrdreg $0xFFFFFFFF  }
0xa7: {  	s28 =	simm.s32 $_size_execute0_lowered;
	s3 =	sadd.s32 s3, s5;
	[dreg:$0x0] =	wrdreg $0x0  }
0xa8: {  	s5 =	sshll.u32 s28, $0x1;
	[dreg:$0x2] =	wrdreg s3  }
0xa9: {  	[dreg:$0x3] =	wrdreg s5  }
0xaa: {  	[dreg:$0x4] =	wrdreg $0xC0  }
0xab: {  	_ =	task [dreg:s7], $0x5FFFF  }
0xac: {  	[dreg:$0x1] =	wrdreg $0xFFFFFFFF  }
0xad: {  	[dreg:$0x0] =	wrdreg $0x60  }
0xae: {  	[dreg:$0x2] =	wrdreg s2  }
0xaf: {  	[dreg:$0x3] =	wrdreg s24  }
0xb0: {  	[dreg:$0x4] =	wrdreg $0x0  }
0xb1: {  	[dreg:$0x5] =	wrdreg $0x9  }
0xb2: {  	_ =	task.clear_ibuf [dreg:s7], $0x6FFFF;
	_ =	strace $0x90000049  }
0xb3: {  	s29 =	simm.s32 $0x9;
	_ =	strace $0x8000004B  }
0xb4: {  	_ =	swait.ge [sflag:s29], $0x1  }
0xb5: {  	[sflag:s29] =	ssyncadd.s32 $0xFFFFFFFF  }
0xb6: {  	_ =	strace $0x9000004B  }
0xb7: {  	_ =	sfence  }
0xb8: {  	s30 =	sld [smem:$0x0];
	_ =	sdelay $0x2  }
0xb9: {  	s31 =	sshll.u32 s1, $0xD;
	s1 =	sshrl.u32 s1, $0x2  }
0xba: {  	s3 =	sand.u32 $0x4000, s31;
	s1 =	sadd.s32 s1, s30  }
0xbb: {  	s0 =	sor.u32 s3, s0;
	s1 =	sshll.u32 s1, $0x11  }
0xbc: {  	s0 =	sor.u32 s1, s0  }
0xbd: {  	s0 =	sadd.s32 $0x8F2B, s0  }
0xbe: {  	[sflag:s0] =	ssyncadd.remote.s32 $0x1  }
0xbf: {  	_ =	sfence.sel $0xFFFF  }
0xc0: {  	[dreg:$0x0] =	wrdreg $0xFFFFFFFF;
	(pc) =	sbr.abs _section_cstart, $3  }
0xc1: {  	[dreg:$0x1] =	wrdreg $0xFFFFFFFF  }
0xc2: {  	_ =	task.clear_ibuf [dreg:s7], $0x2FFFF;
	_ =	strace $0x9FFFFFFF  }
0xc3: {  	(tm) =	ssettm $0x7FFFFFFF  }
tec
execute0_lowered:
.L_overlay_start_1:
0x0: {  	(tag) =	ssettag $0x1  }
0x1: {  	s1 =	rddreg [dreg:$0x0]  }
0x2: {  	s0 =	rddreg [dreg:$0x1]  }
0x3: {  	s2 =	rddreg [dreg:$0x2]  }
0x4: {  	s3 =	srdreg.scid;
	s4 =	simm.s32 $0x0;
	s12 =	stileid.u32  }
0x5: {  	s22 =	simm.s32 $0x1;
	s23 =	simm.s32 $0x80;
	s24 =	simm.s32 $0x13F00  }
0x6: {  	s28 =	simm.s32 $0x13D00;
	s29 =	simm.s32 $0x7;
	s30 =	simm.s32 $0x4  }
0x7: {  	s31 =	simm.s32 $0x3;
	s21 =	simm.s32 $0x0;
	s3 =	sand.u32 $0x1, s3  }
0x8: {  	[smem:$0x7FF] =	sst s4;
	s8 =	smul.u32 $0x13C00, s12;
	s5 =	sadd.s32 $0x1200, s0  }
0x9: {  	s6 =	sadd.s32 $0xB400, s0;
	s9 =	sadd.s32 $0x15400, s0;
	s25 =	sshll.u32 s12, $0x1  }
0xa: {  	s10 =	smul.u32 $0x4F000, s12;
	s14 =	sshll.u32 s12, $0x6;
	s12 =	simm.s32 $0x9  }
0xb: {  	s7 =	smul.u32 $0x13C000, s3;
	_ =	strace $0x8000004A;
	[dreg:$0x4] =	wrdreg s9  }
0xc: {  	s26 =	ssub.s32 $0x2, s3;
	s3 =	sor.u32 s3, s25;
	s16 =	sor.u32 $0x1C0D, s14  }
0xd: {  	s25 =	simm.s32 $0x2;
	s14 =	simm.s32 $0xC;
	[dreg:$0xd] =	wrdreg s21  }
0xe: {  	s11 =	sshrl.u32 s26, $0x1;
	s13 =	sshrl.u32 s10, $0x2;
	[dreg:$0x5] =	wrdreg s16  }
0xf: {  	s7 =	sadd.s32 s8, s7;
	s8 =	smul.u32 $0x2800, s3;
	s11 =	ssub.s32 s26, s11  }
0x10: {  	s26 =	simm.s32 $0x17F00;
	s3 =	simm.s32 $0x13E80;
	s7 =	sshrl.u32 s7, $0x3  }
0x11: {  	s20 =	smax.u32 s11, $0x1;
	s11 =	simm.s32 $0xA;
	s0 =	sadd.s32 s7, s0  }
0x12: {  	s7 =	sadd.s32 s13, s2;
	s15 =	sshrl.u32 s8, $0x3;
	[dreg:$0xb] =	wrdreg s20  }
0x13: {  	s13 =	simm.s32 $0x6;
	s17 =	sadd.s32 s6, s15;
	s18 =	sor.u32 $0x10, s15  }
0x14: {  	s10 =	sadd.s32 s5, s15;
	s0 =	sadd.s32 $0x17C00, s0;
	[dreg:$0x6] =	wrdreg s17  }
.Ltmp0:
0x15: {  	s15 =	simm.s32 $0xB;
	[dreg:$0x7] =	wrdreg s10;
	(pc) =	sbr.rel .LBB2_1-.Ltmp0, $4  }
0x16: {  	s19 =	sadd.s32 s6, s18;
	s9 =	sadd.s32 s5, s18;
	[dreg:$0xa] =	wrdreg s0  }
0x17: {  	s17 =	sshrl.u32 s7, $0x3;
	s18 =	simm.s32 $0x13C00;
	[dreg:$0x8] =	wrdreg s19  }
0x18: {  	s0 =	simm.s32 $0x1BF00;
	s7 =	simm.s32 $0x8;
	[dreg:$0x9] =	wrdreg s9  }
0x19: {  	s10 =	simm.s32 $0x5;
	s19 =	simm.s32 $0x13D80;
	[dreg:$0xc] =	wrdreg s17  }
.LBB2_11:
0x1a: {  	_ =	swait.ge [sflag:s14], $0x4000  }
0x1b: {  	[sflag:s14] =	ssyncset.done $0x0  }
0x1c: {  	[sflag:s14] =	ssyncadd.s32 $0xFFFFC000  }
0x1d: {  	_ =	swait.ge [sflag:s11], $0x4000  }
0x1e: {  	[sflag:s11] =	ssyncset.done $0x0  }
0x1f: {  	[sflag:s11] =	ssyncadd.s32 $0xFFFFC000  }
0x20: {  	[bflag:$0x0] =	sbarrier.arrive $0xFFFF  }
0x21: {  	s16 =	rddreg [dreg:$0x5]  }
0x22: {  	s9 =	rddreg [dreg:$0xa]  }
0x23: {  	s21 =	simm.s32 $0xD;
	s17 =	rddreg [dreg:$0xc]  }
0x24: {  	[hbm:s9], [sflag:s16] =	dma.local [spmem:s17], $0x2780  }
0x25: {  	_ =	swait.ge [sflag:s21], $0x2780  }
0x26: {  	s20 =	rddreg [dreg:$0xd]  }
0x27: {  	[sflag:s21] =	ssyncset.done $0x0;
	s21 =	rddreg [dreg:$0xb];
	s20 =	sadd.s32 $0x1, s20  }
0x28: {  	p0 =	sne.s32 s20, s21  }
.Ltmp1:
0x29: {  	_ = 	snop;
	(pc) =	sbr.rel @!p0 .LBB2_12-.Ltmp1, $3  }
0x2a: {  	_ =	sdelay $0x1  }
0x2b: {  	s21 =	simm.s32 $0xD  }
0x2c: {  	[dreg:$0xd] =	wrdreg s20;
	[sflag:s21] =	ssyncadd.s32 $0xFFFFD880  }
.LBB2_1:
0x2d: {  	s20 =	simm.s32 $0xD;
	s9 =	rddreg [dreg:$0x4]  }
0x2e: {  	[spmem:s17], [sflag:s16] =	dma.local [hbm:s9], $0x2780  }
0x2f: {  	_ =	swait.ge [sflag:s20], $0x2780  }
0x30: {  	[sflag:s20] =	ssyncset.done $0x0  }
0x31: {  	[sflag:s20] =	ssyncadd.s32 $0xFFFFD880  }
0x32: {  	[bflag:$0x0] =	sbarrier.arrive $0xFFFF  }
0x33: {  	s20 =	rddreg [dreg:$0x6]  }
0x34: {  	[tilespmem:s18], [sflag:$0x1] =	stream.linear.gather [hbm4b:s20+s4], $0x80, $0x38;
	[tilespmem:$0x1FF00] =	vst v63  }
0x35: {  	s21 =	rddreg [dreg:$0x7]  }
0x36: {  	[tilespmem:s19], [sflag:$0x4] =	stream.linear.gather [hbm4b:s21+s4], $0x80, $0x38;
	[tilespmem:$0x1FF00] =	vst v63  }
0x37: {  	s17 =	simm.s32 $0x13C80;
	s16 =	rddreg [dreg:$0x8]  }
0x38: {  	[tilespmem:s17], [sflag:$0x2] =	stream.linear.gather [hbm4b:s16+s4], $0x80, $0x38;
	[tilespmem:$0x1FF00] =	vst v63  }
0x39: {  	s20 =	rddreg [dreg:$0x9];
	s21 =	simm.s32 $0x13E00  }
0x3a: {  	[tilespmem:s21], [sflag:$0x5] =	stream.linear.gather [hbm4b:s20+s4], $0x80, $0x38;
	[tilespmem:$0x1FF00] =	vst v63  }
.Ltmp2:
0x3b: {  	_ = 	snop;
	(pc) =	sbr.rel .LBB2_2-.Ltmp2, $4  }
0x3c: {  	_ =	swait.ge [sflag:s22], $0x80  }
0x3d: {  	[sflag:s22] =	ssyncset.done $0x0  }
0x3e: {  	s16 =	simm.s32 $0x200;
	s17 =	simm.s32 $0x0;
	[sflag:s22] =	ssyncadd.s32 $0xFFFFFF80  }
0x3f: {  	[tilespmem:s24], [sflag:$0x7] =	stream.indirect.gather [hbm4b:s1+s23], $0x80, s18, s23, $0xb8;
	[tilespmem:$0x1FF00] =	vst v63  }
.LBB2_10:
0x40: {  	s9 =	sadd.s32 $0xFFFFFF00, s16  }
0x41: {  	_ =	swait.ge [sflag:s31], $0x80;
	s20 =	sand.u32 $0x7C00, s9  }
0x42: {  	s9 =	sand.u32 $0x380, s9;
	[sflag:s31] =	ssyncset.done $0x0;
	s20 =	sadd.s32 s8, s20  }
0x43: {  	[sflag:s31] =	ssyncadd.s32 $0xFFFFFF80;
	s9 =	sor.u32 s9, s20  }
0x44: {  	[tilespmem:s0], [sflag:$0x9] =	stream.indirect.gather [hbm4b:s1+s23], $0x80, s28, s23, $0xb8;
	[tilespmem:$0x1FF00] =	vst v63  }
0x45: {  	s9 =	sshrl.u32 s9, $0x3  }
0x46: {  	s9 =	sadd.s32 s5, s9  }
0x47: {  	[tilespmem:s3], [sflag:$0x6] =	stream.linear.gather [hbm4b:s9+s4], $0x80, $0x38;
	[tilespmem:$0x1FF00] =	vst v63  }
0x48: {  	s9 =	sadd.s32 $0xFFFFFF80, s16  }
0x49: {  	s21 =	sand.u32 $0x7C00, s9  }
0x4a: {  	s9 =	sand.u32 $0x380, s9;
	s20 =	sadd.s32 s8, s21  }
0x4b: {  	s9 =	sor.u32 s9, s20  }
0x4c: {  	s9 =	sshrl.u32 s9, $0x3  }
0x4d: {  	s21 =	sadd.s32 s6, s9  }
0x4e: {  	[tilespmem:s18], [sflag:$0x1] =	stream.linear.gather [hbm4b:s21+s4], $0x80, $0x38;
	[tilespmem:$0x1FF00] =	vst v63  }
0x4f: {  	_ =	swait.ge [sflag:s7], $0x4000  }
0x50: {  	[sflag:s7] =	ssyncset.done $0x0  }
0x51: {  	[sflag:s7] =	ssyncadd.s32 $0xFFFFC000  }
0x52: {  	_ =	swait.ge [sflag:s10], $0x80  }
0x53: {  	[sflag:s10] =	ssyncset.done $0x0  }
0x54: {  	s21 =	simm.s32 $0x13E00;
	[sflag:s10] =	ssyncadd.s32 $0xFFFFFF80  }
0x55: {  	[spmem:s2] =	stream.indirect.scatter.add.f32 [tilespmem:s26], [sflag:$0xB], $0x80, s21, s23, $0xb8;
	[tilespmem:$0x1FF00] =	vst v63  }
0x56: {  	_ =	swait.ge [sflag:s11], $0x4000  }
0x57: {  	[sflag:s11] =	ssyncset.done $0x0  }
0x58: {  	[sflag:s11] =	ssyncadd.s32 $0xFFFFC000  }
0x59: {  	_ =	swait.ge [sflag:s22], $0x80  }
0x5a: {  	[sflag:s22] =	ssyncset.done $0x0  }
0x5b: {  	[sflag:s22] =	ssyncadd.s32 $0xFFFFFF80  }
0x5c: {  	[tilespmem:s24], [sflag:$0x7] =	stream.indirect.gather [hbm4b:s1+s23], $0x80, s18, s23, $0xb8;
	[tilespmem:$0x1FF00] =	vst v63  }
0x5d: {  	p0 =	sgt.u32 s17, $0x18;
	s9 =	sadd.s32 s5, s9  }
0x5e: {  	[tilespmem:s19], [sflag:$0x4] =	stream.linear.gather [hbm4b:s9+s4], $0x80, $0x38;
	[tilespmem:$0x1FF00] =	vst v63  }
0x5f: {  	s9 =	sand.u32 @!p0 $0x7C00, s16  }
0x60: {  	s20 =	sand.u32 @!p0 $0x380, s16;
	s9 =	sadd.s32 @!p0 s8, s9  }
0x61: {  	s9 =	sor.u32 @!p0 s20, s9  }
0x62: {  	s9 =	sshrl.u32 @!p0 s9, $0x3  }
0x63: {  	s21 =	simm.s32 @!p0 $0x13C80;
	s20 =	simm.s32 @!p0 $0x0;
	s9 =	sadd.s32 @!p0 s6, s9  }
0x64: {  	[tilespmem:s21], [sflag:$0x2] =	stream.linear.gather @!p0 [hbm4b:s9+s20], $0x80, $0x38;
	[tilespmem:$0x1FF00] =	vst v63  }
0x65: {  	s16 =	sadd.s32 $0x180, s16;
	_ =	swait.ge [sflag:s12], $0x4000  }
0x66: {  	p0 =	sne.s32 s16, $0x2A80;
	[sflag:s12] =	ssyncset.done $0x0  }
.Ltmp3:
0x67: {  	[sflag:s12] =	ssyncadd.s32 $0xFFFFC000;
	(pc) =	sbr.rel @!p0 .LBB2_11-.Ltmp3, $4  }
0x68: {  	_ =	swait.ge [sflag:s13], $0x80  }
0x69: {  	[sflag:s13] =	ssyncset.done $0x0  }
0x6a: {  	s17 =	sadd.s32 $0x1, s17;
	[sflag:s13] =	ssyncadd.s32 $0xFFFFFF80  }
0x6b: {  	[spmem:s2] =	stream.indirect.scatter.add.f32 [tilespmem:s0], [sflag:$0xC], $0x80, s3, s23, $0xb8;
	[tilespmem:$0x1FF00] =	vst v63  }
.LBB2_2:
0x6c: {  	p0 =	seq.s32 s16, $0x200  }
.Ltmp4:
0x6d: {  	_ = 	snop;
	(pc) =	sbr.rel @!p0 .LBB2_3-.Ltmp4, $1  }
0x6e: {  	_ =	sdelay $0x3  }
.Ltmp5:
0x6f: {  	_ =	swait.ge [sflag:s25], $0x80;
	(pc) =	sbr.rel .LBB2_6-.Ltmp5, $4  }
0x70: {  	[sflag:s25] =	ssyncset.done $0x0  }
0x71: {  	s9 =	simm.s32 $0x13C80;
	[sflag:s25] =	ssyncadd.s32 $0xFFFFFF80  }
0x72: {  	[tilespmem:s26], [sflag:$0x8] =	stream.indirect.gather [hbm4b:s1+s23], $0x80, s9, s23, $0xb8;
	[tilespmem:$0x1FF00] =	vst v63  }
0x73: {  	s9 =	simm.s32 $0x100  }
.LBB2_3:
0x74: {  	p0 =	seq.s32 s16, $0x2900  }
.Ltmp6:
0x75: {  	_ = 	snop;
	(pc) =	sbr.rel @p0 .LBB2_7-.Ltmp6, $4  }
0x76: {  	_ = 	snop  }
0x77: {  	_ =	swait.ge [sflag:s15], $0x4000  }
0x78: {  	[sflag:s15] =	ssyncset.done $0x0  }
0x79: {  	[sflag:s15] =	ssyncadd.s32 $0xFFFFC000  }
0x7a: {  	_ =	swait.ge [sflag:s25], $0x80  }
0x7b: {  	s21 =	sadd.s32 $0xFFFFFE80, s16;
	[sflag:s25] =	ssyncset.done $0x0  }
0x7c: {  	s9 =	simm.s32 $0x13C80;
	s20 =	sand.u32 $0x7C00, s21;
	[sflag:s25] =	ssyncadd.s32 $0xFFFFFF80  }
0x7d: {  	[tilespmem:s26], [sflag:$0x8] =	stream.indirect.gather [hbm4b:s1+s23], $0x80, s9, s23, $0xb8;
	[tilespmem:$0x1FF00] =	vst v63  }
0x7e: {  	s20 =	sadd.s32 s8, s20;
	s9 =	sand.u32 $0x380, s21  }
0x7f: {  	s9 =	sor.u32 s9, s20  }
0x80: {  	s9 =	sshrl.u32 s9, $0x3  }
0x81: {  	s21 =	simm.s32 $0x13E00;
	s9 =	sadd.s32 s5, s9  }
0x82: {  	[tilespmem:s21], [sflag:$0x5] =	stream.linear.gather [hbm4b:s9+s4], $0x80, $0x38;
	[tilespmem:$0x1FF00] =	vst v63  }
0x83: {  	s9 =	sadd.s32 $0xFFFFFF00, s16  }
.LBB2_6:
0x84: {  	s20 =	sand.u32 $0x7C00, s9  }
0x85: {  	s21 =	sand.u32 $0x380, s9;
	s20 =	sadd.s32 s8, s20  }
0x86: {  	s9 =	sor.u32 s21, s20  }
0x87: {  	s9 =	sshrl.u32 s9, $0x3  }
0x88: {  	s9 =	sadd.s32 s6, s9  }
0x89: {  	[tilespmem:s28], [sflag:$0x3] =	stream.linear.gather [hbm4b:s9+s4], $0x80, $0x38;
	[tilespmem:$0x1FF00] =	vst v63  }
.LBB2_7:
0x8a: {  	_ =	swait.ge [sflag:s29], $0x4000  }
0x8b: {  	p0 =	seq.s32 s17, $0x0;
	[sflag:s29] =	ssyncset.done $0x0  }
.Ltmp7:
0x8c: {  	[sflag:s29] =	ssyncadd.s32 $0xFFFFC000;
	(pc) =	sbr.rel @p0 .LBB2_10-.Ltmp7, $4  }
0x8d: {  	_ =	swait.ge [sflag:s30], $0x80  }
0x8e: {  	[sflag:s30] =	ssyncset.done $0x0  }
0x8f: {  	[sflag:s30] =	ssyncadd.s32 $0xFFFFFF80  }
0x90: {  	[spmem:s2] =	stream.indirect.scatter.add.f32 [tilespmem:s24], [sflag:$0xA], $0x80, s19, s23, $0xb8;
	[tilespmem:$0x1FF00] =	vst v63  }
0x91: {  	p0 =	seq.s32 s17, $0x1A  }
.Ltmp8:
0x92: {  	_ = 	snop;
	(pc) =	sbr.rel @p0 .LBB2_11-.Ltmp8, $1  }
0x93: {  	_ =	sdelay $0x3  }
.Ltmp9:
0x94: {  	(pc) =	sbr.rel .LBB2_10-.Ltmp9, $4  }
0x95: {  	_ = 	snop  }
0x96: {  	_ =	swait.ge [sflag:s14], $0x4000  }
0x97: {  	[sflag:s14] =	ssyncset.done $0x0  }
0x98: {  	[sflag:s14] =	ssyncadd.s32 $0xFFFFC000  }
.LBB2_12:
0x99: {  	_ =	sfence.sel $0x180000  }
0x9a: {  	[bflag:$0x0] =	sbarrier.arrive $0xFFFF  }
0x9b: {  	_ =	strace $0x9000004A  }
0x9c: {  	s0 =	stileid.u32;
	[bflag:$0x2] =	sbarrier.arrive $0xFFFF  }
0x9d: {  	p0 =	sne.s32 s0, $0x0;
	s0 =	rddreg [dreg:$0x3]  }
0x9e: {  	s0 =	sadd.s32 @!p0 $0x100000, s0  }
0x9f: {  	[sflag:s0] =	ssyncadd.tile.s32 @!p0 $0x1;
	_ =	shalt  }
.Lfunc_end2:
_tile_overlayer_lowered:
.L_overlay_start_2:
0xa0: {  	(tag) =	ssettag $0x2  }
0xa1: {  	s0 =	rddreg [dreg:$0x0];
	s2 =	stileid.u32  }
0xa2: {  	s1 =	rddreg [dreg:$0x1];
	p0 =	sne.s32 s2, $0x0  }
0xa3: {  	s3 =	rddreg [dreg:$0x2];
	[bflag:$0x3] =	sbarrier.arrive $0xFFFF;
	s2 =	simm.s32 @!p0 $0x1C0D  }
0xa4: {  	[timem:s3], [sflag:s2] =	dma.local @!p0 [hbm:s0], s1  }
0xa5: {  	s0 =	simm.s32 @!p0 $0xD  }
0xa6: {  	_ =	swait.ge @!p0 [sflag:s0], s1  }
0xa7: {  	s1 =	ssub.s32 @!p0 $0x0, s1;
	[sflag:s0] =	ssyncset.done @!p0 $0x0  }
0xa8: {  	[sflag:s0] =	ssyncadd.s32 @!p0 s1  }
0xa9: {  	[bflag:$0x3] =	sbarrier.arrive $0xFFFF  }
0xaa: {  	_ =	shalt  }

</sc_bundles>
